<compile_context>
chip_gen: v7x
topology: tpu7x:2x2x1
jax: 0.10.2.dev20260603
libtpu: 0.0.44.dev20260713+nightly
codegen_flags: <defaults>
</compile_context>

<pallas_src>
import functools

import jax
import jax.numpy as jnp
from jax import lax
from jax.experimental import pallas as pl
from jax.experimental.pallas import tpu as pltpu
from jax.experimental.pallas import tpu_sc as plsc

NC = 2
NS = 16
NW = NC * NS
CHUNK = 80
NPAD = 10240
D = 128


def _sc_mesh():
    return plsc.VectorSubcoreMesh(
        core_axis_name="c", subcore_axis_name="s", num_cores=NC, num_subcores=NS
    )


def _make_deg(e):
    ept = e // NW
    nchunk = ept // CHUNK
    rpt = NPAD // NS

    @functools.partial(
        pl.kernel,
        out_type=jax.ShapeDtypeStruct((NC, NPAD), jnp.float32),
        mesh=_sc_mesh(),
        scratch_types=[
            pltpu.VMEM((nchunk, CHUNK), jnp.int32),
            pltpu.VMEM((CHUNK,), jnp.float32),
            pltpu.VMEM_SHARED((NPAD,), jnp.float32),
        ],
    )
    def deg_kernel(dst_hbm, ones_hbm, zeros_hbm, out_hbm, didx_v, ones_v, acc_sh):
        c = lax.axis_index("c")
        s = lax.axis_index("s")
        wid = c * NS + s
        base_r = s * rpt
        pltpu.sync_copy(zeros_hbm, acc_sh.at[pl.ds(base_r, rpt)])
        pltpu.sync_copy(ones_hbm, ones_v)
        pltpu.sync_copy(dst_hbm.at[wid], didx_v)
        plsc.subcore_barrier()

        def body(i, carry):
            pltpu.sync_copy(ones_v, acc_sh.at[didx_v.at[i]], add=True)
            return carry

        lax.fori_loop(0, nchunk, body, 0)
        plsc.subcore_barrier()
        pltpu.sync_copy(acc_sh.at[pl.ds(base_r, rpt)], out_hbm.at[c, pl.ds(base_r, rpt)])

    return deg_kernel


def _make_agg(e, d):
    ept = e // NW
    nchunk = ept // CHUNK
    rpt = NPAD // NS

    @functools.partial(
        pl.kernel,
        out_type=jax.ShapeDtypeStruct((NC, NPAD, d), jnp.float32),
        mesh=_sc_mesh(),
        scratch_types=[
            pltpu.VMEM((2, CHUNK), jnp.int32),
            pltpu.VMEM((nchunk, CHUNK), jnp.int32),
            pltpu.VMEM((2, CHUNK, d), jnp.float32),
            pltpu.VMEM_SHARED((NPAD, d), jnp.float32),
            pltpu.SemaphoreType.DMA,
            pltpu.SemaphoreType.DMA,
        ],
    )
    def agg_kernel(h_hbm, src_hbm, dst_hbm, zeros_hbm, out_hbm,
                   sidx_v, didx_v, rows_v, acc_sh, sem0, sem1):
        c = lax.axis_index("c")
        s = lax.axis_index("s")
        wid = c * NS + s
        base_r = s * rpt
        pltpu.sync_copy(zeros_hbm, acc_sh.at[pl.ds(base_r, rpt)])
        pltpu.sync_copy(dst_hbm.at[wid], didx_v)
        plsc.subcore_barrier()

        pltpu.sync_copy(src_hbm.at[wid, 0], sidx_v.at[0])
        pltpu.async_copy(h_hbm.at[sidx_v.at[0]], rows_v.at[0], sem0)

        def body(p, carry):
            i0 = 2 * p
            pltpu.sync_copy(src_hbm.at[wid, i0 + 1], sidx_v.at[1])
            pltpu.async_copy(h_hbm.at[sidx_v.at[1]], rows_v.at[1], sem1)
            pltpu.make_async_copy(h_hbm.at[sidx_v.at[0]], rows_v.at[0], sem0).wait()

            @pl.when(i0 + 2 < nchunk)
            def _():
                pltpu.sync_copy(src_hbm.at[wid, i0 + 2], sidx_v.at[0])
                pltpu.async_copy(h_hbm.at[sidx_v.at[0]], rows_v.at[0], sem0)

            pltpu.make_async_copy(h_hbm.at[sidx_v.at[1]], rows_v.at[1], sem1).wait()
            return carry

        lax.fori_loop(0, nchunk // 2, body, 0)
        if nchunk % 2 == 1:
            last = nchunk - 1
            pltpu.make_async_copy(h_hbm.at[sidx_v.at[0]], rows_v.at[0], sem0).wait()
            pltpu.sync_copy(rows_v.at[0], acc_sh.at[didx_v.at[last]], add=True)
        plsc.subcore_barrier()
        pltpu.sync_copy(acc_sh.at[pl.ds(base_r, rpt)], out_hbm.at[c, pl.ds(base_r, rpt)])

    return agg_kernel


def _tc_mm(x, W1):
    n = x.shape[0]

    def body(x_ref, w_ref, m_ref):
        m_ref[...] = jnp.dot(x_ref[...], w_ref[...], preferred_element_type=jnp.float32)

    return pl.pallas_call(
        body, out_shape=jax.ShapeDtypeStruct((n, W1.shape[1]), jnp.float32)
    )(x, W1)


def _tc_scale(cnt, m):
    n = m.shape[0]

    def body(cnt_ref, m_ref, h_ref, dis_ref):
        deg = 1.0 + cnt_ref[0, :n] + cnt_ref[1, :n]
        dis = lax.rsqrt(deg)[:, None]
        dis_ref[...] = dis
        h_ref[...] = m_ref[...] * dis

    return pl.pallas_call(
        body,
        out_shape=(
            jax.ShapeDtypeStruct((n, m.shape[1]), jnp.float32),
            jax.ShapeDtypeStruct((n, 1), jnp.float32),
        ),
    )(cnt, m)


def _tc_layer(p, hp, dis, b, g, be, Wn):
    n, _ = hp.shape
    dn = Wn.shape[1]

    def body(p_ref, hp_ref, dis_ref, b_ref, g_ref, be_ref, w_ref, o_ref):
        t = (p_ref[0, :n] + p_ref[1, :n] + hp_ref[...]) * dis_ref[...] + b_ref[...]
        mu = jnp.mean(t, axis=0, keepdims=True)
        dt = t - mu
        var = jnp.mean(dt * dt, axis=0, keepdims=True)
        z = g_ref[...] * dt * lax.rsqrt(var + 1e-5) + be_ref[...]
        z = jnp.maximum(z, 0.0)
        o_ref[...] = jnp.dot(z, w_ref[...], preferred_element_type=jnp.float32) * dis_ref[...]

    return pl.pallas_call(
        body, out_shape=jax.ShapeDtypeStruct((n, dn), jnp.float32)
    )(p, hp, dis, b, g, be, Wn)


def _tc_final(p, hp, dis, b, dout):
    n, _ = hp.shape

    def body(p_ref, hp_ref, dis_ref, b_ref, o_ref):
        t = (p_ref[0, :n] + p_ref[1, :n] + hp_ref[...]) * dis_ref[...] + b_ref[...]
        u = t[:, :dout]
        m = jnp.max(u, axis=1, keepdims=True)
        ex = jnp.exp(u - m)
        lse = jnp.log(jnp.sum(ex, axis=1, keepdims=True))
        o_ref[...] = u - m - lse

    return pl.pallas_call(
        body, out_shape=jax.ShapeDtypeStruct((n, dout), jnp.float32)
    )(p, hp, dis, b)


def kernel(x, edge_index, W1, b1, g1, be1, W2, b2, g2, be2, W3, b3):
    n = x.shape[0]
    e = edge_index.shape[1]
    dout = W3.shape[1]
    ept = e // NW
    nchunk = ept // CHUNK

    d3 = D
    ei = edge_index.astype(jnp.int32)
    src3 = ei[0].reshape(NW, nchunk, CHUNK)
    dst3 = ei[1].reshape(NW, nchunk, CHUNK)
    W3p = jnp.pad(W3, ((0, 0), (0, d3 - dout)))
    b3p = jnp.pad(b3, (0, d3 - dout))
    zrows = jnp.zeros((NPAD // NS, D), jnp.float32)
    zdeg = jnp.zeros((NPAD // NS,), jnp.float32)
    ones1 = jnp.ones((CHUNK,), jnp.float32)

    cnt = _make_deg(e)(dst3, ones1, zdeg)
    m1 = _tc_mm(x, W1)
    h1p, dis = _tc_scale(cnt, m1)

    agg = _make_agg(e, D)
    p1 = agg(h1p, src3, dst3, zrows)
    h2p = _tc_layer(p1, h1p, dis, b1[None], g1[None], be1[None], W2)
    p2 = agg(h2p, src3, dst3, zrows)
    h3p = _tc_layer(p2, h2p, dis, b2[None], g2[None], be2[None], W3p)
    p3 = agg(h3p, src3, dst3, zrows)
    return _tc_final(p3, h3p, dis, b3p[None], dout)

# --- scband reference (transcript-rebuilt; emitter-appended) ---
"""Pipeline reference for scband-gcn-91268055040650 (READ-ONLY COPY).

The authoritative reference and input builder live on the scoring server;
editing this copy changes nothing except your own understanding.
"""

import jax, jax.numpy as jnp
import numpy as np

N_NODES = 10000


def gcn_conv(x, edge_index, W, b):
    n = x.shape[0]
    src = edge_index[0]
    dst = edge_index[1]
    # add self loops (PyG GCNConv default)
    loop = jnp.arange(n, dtype=edge_index.dtype)
    src2 = jnp.concatenate([src, loop])
    dst2 = jnp.concatenate([dst, loop])
    h = x @ W
    deg = jnp.zeros((n,), dtype=x.dtype).at[dst2].add(1.0)
    dis = jnp.where(deg > 0, deg ** -0.5, 0.0)
    norm = dis[src2] * dis[dst2]
    msg = h[src2] * norm[:, None]
    out = jnp.zeros((n, W.shape[1]), dtype=x.dtype).at[dst2].add(msg)
    return out + b


def batch_norm(x, gamma, beta, eps=1e-5):
    mean = jnp.mean(x, axis=0)
    var = jnp.mean((x - mean) ** 2, axis=0)
    return gamma * (x - mean) / jnp.sqrt(var + eps) + beta


def setup_inputs(seed: int = 0) -> dict:
    key = jax.random.key(seed)
    ks = jax.random.split(key, 10)
    d_in, d_hid, d_out = 128, 128, 40
    x = jax.random.normal(ks[0], (N_NODES, d_in), dtype=jnp.float32)
    edge_index = jax.random.randint(ks[1], (2, 320000), 0, N_NODES, dtype=jnp.int64)
    s1 = 1.0 / np.sqrt(d_in)
    s2 = 1.0 / np.sqrt(d_hid)
    W1 = jax.random.uniform(ks[2], (d_in, d_hid), jnp.float32, -s1, s1)
    b1 = jnp.zeros((d_hid,), jnp.float32)
    W2 = jax.random.uniform(ks[3], (d_hid, d_hid), jnp.float32, -s2, s2)
    b2 = jnp.zeros((d_hid,), jnp.float32)
    W3 = jax.random.uniform(ks[4], (d_hid, d_out), jnp.float32, -s2, s2)
    b3 = jnp.zeros((d_out,), jnp.float32)
    g1 = jnp.ones((d_hid,), jnp.float32)
    be1 = jnp.zeros((d_hid,), jnp.float32)
    g2 = jnp.ones((d_hid,), jnp.float32)
    be2 = jnp.zeros((d_hid,), jnp.float32)
    return {"x": x, "edge_index": edge_index, "W1": W1, "b1": b1, "g1": g1,
            "be1": be1, "W2": W2, "b2": b2, "g2": g2, "be2": be2,
            "W3": W3, "b3": b3}


def reference(x, edge_index, W1, b1, g1, be1, W2, b2, g2, be2, W3, b3):
    # layer 1
    h = gcn_conv(x, edge_index, W1, b1)
    h = batch_norm(h, g1, be1)
    h = jax.nn.relu(h)
    # dropout disabled (deterministic eval)
    # layer 2
    h = gcn_conv(h, edge_index, W2, b2)
    h = batch_norm(h, g2, be2)
    h = jax.nn.relu(h)
    # layer 3 (output)
    h = gcn_conv(h, edge_index, W3, b3)
    return jax.nn.log_softmax(h, axis=1)

if __name__ == "__main__":
    import jax
    _d = setup_inputs()
    print(jax.jit(kernel)(*tuple(_d.values())))

</pallas_src>

<mosaic_0001>
#map = affine_map<(d0, d1) -> (0, 0)>
#map1 = affine_map<(d0, d1) -> (0, 0, 0)>
module attributes {stable_mosaic.version = 14 : i64} {
  func.func @agg_kernel(%arg0: i32, %arg1: i32, %arg2: memref<10000x128xf32, #tpu.memory_space<hbm>>, %arg3: memref<32x125x80xi32, #tpu.memory_space<hbm>>, %arg4: memref<32x125x80xi32, #tpu.memory_space<hbm>>, %arg5: memref<640x128xf32, #tpu.memory_space<hbm>>, %arg6: memref<2x10240x128xf32, #tpu.memory_space<hbm>>, %arg7: memref<2x80xi32, #tpu.memory_space<vmem>>, %arg8: memref<125x80xi32, #tpu.memory_space<vmem>>, %arg9: memref<2x80x128xf32, #tpu.memory_space<vmem>>, %arg10: memref<10240x128xf32, #tpu.memory_space<vmem_shared>>, %arg11: memref<!tpu.dma_semaphore, #tpu.memory_space<semaphore_mem>>, %arg12: memref<!tpu.dma_semaphore, #tpu.memory_space<semaphore_mem>>) attributes {dimension_semantics = [#tpu.dimension_semantics<core_parallel>, #tpu.dimension_semantics<subcore_parallel>], iteration_bounds = array<i64: 2, 16>, scalar_prefetch = 0 : i64, scratch_operands = 6 : i64, tpu.core_type = #tpu.core_type<sc_vector_subcore>, window_params = [{transform_indices = #map}, {transform_indices = #map1}, {transform_indices = #map1}, {transform_indices = #map}, {transform_indices = #map1}]} {
    %mul3A = arith.constant 16 : i32
    %mul3A_0 = arith.muli %arg0, %mul3A : i32
    %add3A = arith.addi %mul3A_0, %arg1 : i32
    %mul3A_1 = arith.constant 640 : i32
    %mul3A_2 = arith.muli %arg1, %mul3A_1 : i32
    "tpu.region"() ({
      %run_scoped3A_34 = tpu.sem_alloc : memref<!tpu.dma_semaphore, #tpu.memory_space<semaphore_mem>>
      %dma_start3A_35 = arith.constant 0 : i32
      %dma_start3A_36 = tpu.memref_slice %arg10[%mul3A_2, %dma_start3A_35] : memref<10240x128xf32, #tpu.memory_space<vmem_shared>> -> memref<640x128xf32, #tpu.memory_space<vmem_shared>>
      tpu.enqueue_dma source(%arg5 : memref<640x128xf32, #tpu.memory_space<hbm>>) target(%dma_start3A_36 : memref<640x128xf32, #tpu.memory_space<vmem_shared>>) target_semaphore(%run_scoped3A_34 : memref<!tpu.dma_semaphore, #tpu.memory_space<semaphore_mem>>)
      %dma_wait3A_37 = arith.constant 0 : i32
      %dma_wait3A_38 = tpu.memref_slice %arg10[%mul3A_2, %dma_wait3A_37] : memref<10240x128xf32, #tpu.memory_space<vmem_shared>> -> memref<640x128xf32, #tpu.memory_space<vmem_shared>>
      tpu.wait_dma2 semaphore(%run_scoped3A_34 : memref<!tpu.dma_semaphore, #tpu.memory_space<semaphore_mem>>) src(%arg5 : memref<640x128xf32, #tpu.memory_space<hbm>>) dst(%dma_wait3A_38 : memref<640x128xf32, #tpu.memory_space<vmem_shared>>)
      tpu.yield
    }) : () -> ()
    "tpu.region"() ({
      %run_scoped3A_34 = tpu.sem_alloc : memref<!tpu.dma_semaphore, #tpu.memory_space<semaphore_mem>>
      %dma_start3A_35 = arith.constant 0 : i32
      %dma_start3A_36 = arith.constant 0 : i32
      %dma_start3A_37 = tpu.memref_slice %arg4[%add3A, %dma_start3A_35, %dma_start3A_36] : memref<32x125x80xi32, #tpu.memory_space<hbm>> -> memref<1x125x80xi32, #tpu.memory_space<hbm>>
      %dma_start3A_38 = tpu.memref_squeeze %dma_start3A_37 : memref<1x125x80xi32, #tpu.memory_space<hbm>> -> memref<125x80xi32, #tpu.memory_space<hbm>>
      %dma_start3A_39 = arith.constant 0 : i32
      %dma_start3A_40 = arith.constant 0 : i32
      %dma_start3A_41 = tpu.memref_slice %arg4[%add3A, %dma_start3A_39, %dma_start3A_40] : memref<32x125x80xi32, #tpu.memory_space<hbm>> -> memref<1x125x80xi32, #tpu.memory_space<hbm>>
      %dma_start3A_42 = tpu.memref_squeeze %dma_start3A_41 : memref<1x125x80xi32, #tpu.memory_space<hbm>> -> memref<125x80xi32, #tpu.memory_space<hbm>>
      tpu.enqueue_dma source(%dma_start3A_42 : memref<125x80xi32, #tpu.memory_space<hbm>>) target(%arg8 : memref<125x80xi32, #tpu.memory_space<vmem>>) target_semaphore(%run_scoped3A_34 : memref<!tpu.dma_semaphore, #tpu.memory_space<semaphore_mem>>)
      %dma_wait3A_43 = arith.constant 0 : i32
      %dma_wait3A_44 = arith.constant 0 : i32
      %dma_wait3A_45 = tpu.memref_slice %arg4[%add3A, %dma_wait3A_43, %dma_wait3A_44] : memref<32x125x80xi32, #tpu.memory_space<hbm>> -> memref<1x125x80xi32, #tpu.memory_space<hbm>>
      %dma_wait3A_46 = tpu.memref_squeeze %dma_wait3A_45 : memref<1x125x80xi32, #tpu.memory_space<hbm>> -> memref<125x80xi32, #tpu.memory_space<hbm>>
      %dma_wait3A_47 = arith.constant 0 : i32
      %dma_wait3A_48 = arith.constant 0 : i32
      %dma_wait3A_49 = tpu.memref_slice %arg4[%add3A, %dma_wait3A_47, %dma_wait3A_48] : memref<32x125x80xi32, #tpu.memory_space<hbm>> -> memref<1x125x80xi32, #tpu.memory_space<hbm>>
      %dma_wait3A_50 = tpu.memref_squeeze %dma_wait3A_49 : memref<1x125x80xi32, #tpu.memory_space<hbm>> -> memref<125x80xi32, #tpu.memory_space<hbm>>
      tpu.wait_dma2 semaphore(%run_scoped3A_34 : memref<!tpu.dma_semaphore, #tpu.memory_space<semaphore_mem>>) src(%dma_wait3A_50 : memref<125x80xi32, #tpu.memory_space<hbm>>) dst(%arg8 : memref<125x80xi32, #tpu.memory_space<vmem>>)
      tpu.yield
    }) : () -> ()
    %barrier3A = arith.constant 0 : index
    tpu.barrier barrier_id(%barrier3A)
    %run_scoped3A = arith.constant 0 : i32
    %run_scoped3A_3 = arith.constant 0 : i32
    "tpu.region"() ({
      %run_scoped3A_34 = tpu.sem_alloc : memref<!tpu.dma_semaphore, #tpu.memory_space<semaphore_mem>>
      %dma_start3A_35 = arith.constant 0 : i32
      %dma_start3A_36 = tpu.memref_slice %arg7[%run_scoped3A_3, %dma_start3A_35] : memref<2x80xi32, #tpu.memory_space<vmem>> -> memref<1x80xi32, #tpu.memory_space<vmem>>
      %dma_start3A_37 = tpu.memref_squeeze %dma_start3A_36 : memref<1x80xi32, #tpu.memory_space<vmem>> -> memref<80xi32, #tpu.memory_space<vmem>>
      %dma_start3A_38 = arith.constant 0 : i32
      %dma_start3A_39 = tpu.memref_slice %arg3[%add3A, %run_scoped3A, %dma_start3A_38] : memref<32x125x80xi32, #tpu.memory_space<hbm>> -> memref<1x1x80xi32, #tpu.memory_space<hbm>>
      %dma_start3A_40 = tpu.memref_squeeze %dma_start3A_39 : memref<1x1x80xi32, #tpu.memory_space<hbm>> -> memref<80xi32, #tpu.memory_space<hbm>>
      %dma_start3A_41 = arith.constant 0 : i32
      %dma_start3A_42 = tpu.memref_slice %arg7[%run_scoped3A_3, %dma_start3A_41] : memref<2x80xi32, #tpu.memory_space<vmem>> -> memref<1x80xi32, #tpu.memory_space<vmem>>
      %dma_start3A_43 = tpu.memref_squeeze %dma_start3A_42 : memref<1x80xi32, #tpu.memory_space<vmem>> -> memref<80xi32, #tpu.memory_space<vmem>>
      %dma_start3A_44 = arith.constant 0 : i32
      %dma_start3A_45 = tpu.memref_slice %arg3[%add3A, %run_scoped3A, %dma_start3A_44] : memref<32x125x80xi32, #tpu.memory_space<hbm>> -> memref<1x1x80xi32, #tpu.memory_space<hbm>>
      %dma_start3A_46 = tpu.memref_squeeze %dma_start3A_45 : memref<1x1x80xi32, #tpu.memory_space<hbm>> -> memref<80xi32, #tpu.memory_space<hbm>>
      tpu.enqueue_dma source(%dma_start3A_46 : memref<80xi32, #tpu.memory_space<hbm>>) target(%dma_start3A_43 : memref<80xi32, #tpu.memory_space<vmem>>) target_semaphore(%run_scoped3A_34 : memref<!tpu.dma_semaphore, #tpu.memory_space<semaphore_mem>>)
      %dma_wait3A_47 = arith.constant 0 : i32
      %dma_wait3A_48 = tpu.memref_slice %arg7[%run_scoped3A_3, %dma_wait3A_47] : memref<2x80xi32, #tpu.memory_space<vmem>> -> memref<1x80xi32, #tpu.memory_space<vmem>>
      %dma_wait3A_49 = tpu.memref_squeeze %dma_wait3A_48 : memref<1x80xi32, #tpu.memory_space<vmem>> -> memref<80xi32, #tpu.memory_space<vmem>>
      %dma_wait3A_50 = arith.constant 0 : i32
      %dma_wait3A_51 = tpu.memref_slice %arg3[%add3A, %run_scoped3A, %dma_wait3A_50] : memref<32x125x80xi32, #tpu.memory_space<hbm>> -> memref<1x1x80xi32, #tpu.memory_space<hbm>>
      %dma_wait3A_52 = tpu.memref_squeeze %dma_wait3A_51 : memref<1x1x80xi32, #tpu.memory_space<hbm>> -> memref<80xi32, #tpu.memory_space<hbm>>
      %dma_wait3A_53 = arith.constant 0 : i32
      %dma_wait3A_54 = tpu.memref_slice %arg7[%run_scoped3A_3, %dma_wait3A_53] : memref<2x80xi32, #tpu.memory_space<vmem>> -> memref<1x80xi32, #tpu.memory_space<vmem>>
      %dma_wait3A_55 = tpu.memref_squeeze %dma_wait3A_54 : memref<1x80xi32, #tpu.memory_space<vmem>> -> memref<80xi32, #tpu.memory_space<vmem>>
      %dma_wait3A_56 = arith.constant 0 : i32
      %dma_wait3A_57 = tpu.memref_slice %arg3[%add3A, %run_scoped3A, %dma_wait3A_56] : memref<32x125x80xi32, #tpu.memory_space<hbm>> -> memref<1x1x80xi32, #tpu.memory_space<hbm>>
      %dma_wait3A_58 = tpu.memref_squeeze %dma_wait3A_57 : memref<1x1x80xi32, #tpu.memory_space<hbm>> -> memref<80xi32, #tpu.memory_space<hbm>>
      tpu.wait_dma2 semaphore(%run_scoped3A_34 : memref<!tpu.dma_semaphore, #tpu.memory_space<semaphore_mem>>) src(%dma_wait3A_58 : memref<80xi32, #tpu.memory_space<hbm>>) dst(%dma_wait3A_55 : memref<80xi32, #tpu.memory_space<vmem>>)
      tpu.yield
    }) : () -> ()
    %dma_start3A = arith.constant 0 : i32
    %dma_start3A_4 = arith.constant 0 : i32
    %dma_start3A_5 = arith.constant 0 : i32
    %dma_start3A_6 = arith.constant 0 : i32
    %dma_start3A_7 = tpu.memref_slice %arg9[%dma_start3A_4, %dma_start3A_5, %dma_start3A_6] : memref<2x80x128xf32, #tpu.memory_space<vmem>> -> memref<1x80x128xf32, #tpu.memory_space<vmem>>
    %dma_start3A_8 = tpu.memref_squeeze %dma_start3A_7 : memref<1x80x128xf32, #tpu.memory_space<vmem>> -> memref<80x128xf32, #tpu.memory_space<vmem>>
    %dma_start3A_9 = arith.constant 0 : i32
    %dma_start3A_10 = tpu.memref_slice %arg7[%dma_start3A, %dma_start3A_9] : memref<2x80xi32, #tpu.memory_space<vmem>> -> memref<1x80xi32, #tpu.memory_space<vmem>>
    %dma_start3A_11 = tpu.memref_squeeze %dma_start3A_10 : memref<1x80xi32, #tpu.memory_space<vmem>> -> memref<80xi32, #tpu.memory_space<vmem>>
    %dma_start3A_12 = arith.constant 0 : i32
    %dma_start3A_13 = arith.constant 0 : i32
    %dma_start3A_14 = tpu.memref_slice %arg2[%dma_start3A_12, %dma_start3A_13] : memref<10000x128xf32, #tpu.memory_space<hbm>> -> memref<10000x128xf32, #tpu.memory_space<hbm>>
    tpu.enqueue_indirect_dma source(%dma_start3A_14 : memref<10000x128xf32, #tpu.memory_space<hbm>>) target(%dma_start3A_8 : memref<80x128xf32, #tpu.memory_space<vmem>>) offsets(%dma_start3A_11 : memref<80xi32, #tpu.memory_space<vmem>>) semaphore(%arg11 : memref<!tpu.dma_semaphore, #tpu.memory_space<semaphore_mem>>)
    %scan3A = arith.constant 0 : i32
    %scan3A_15 = arith.constant 0 : i32
    %scan3A_16 = arith.constant 62 : i32
    %scan3A_17 = arith.addi %scan3A_15, %scan3A_16 : i32
    %scan3A_18 = arith.constant 1 : i32
    scf.for %scan3A_34 = %scan3A_15 to %scan3A_17 step %scan3A_18  : i32 {
      %mul3A_35 = arith.constant 2 : i32
      %mul3A_36 = arith.muli %mul3A_35, %scan3A_34 : i32
      %add3A_37 = arith.constant 1 : i32
      %add3A_38 = arith.addi %mul3A_36, %add3A_37 : i32
      %run_scoped3A_39 = arith.constant 1 : i32
      "tpu.region"() ({
        %run_scoped3A_80 = tpu.sem_alloc : memref<!tpu.dma_semaphore, #tpu.memory_space<semaphore_mem>>
        %dma_start3A_81 = arith.constant 0 : i32
        %dma_start3A_82 = tpu.memref_slice %arg7[%run_scoped3A_39, %dma_start3A_81] : memref<2x80xi32, #tpu.memory_space<vmem>> -> memref<1x80xi32, #tpu.memory_space<vmem>>
        %dma_start3A_83 = tpu.memref_squeeze %dma_start3A_82 : memref<1x80xi32, #tpu.memory_space<vmem>> -> memref<80xi32, #tpu.memory_space<vmem>>
        %dma_start3A_84 = arith.constant 0 : i32
        %dma_start3A_85 = tpu.memref_slice %arg3[%add3A, %add3A_38, %dma_start3A_84] : memref<32x125x80xi32, #tpu.memory_space<hbm>> -> memref<1x1x80xi32, #tpu.memory_space<hbm>>
        %dma_start3A_86 = tpu.memref_squeeze %dma_start3A_85 : memref<1x1x80xi32, #tpu.memory_space<hbm>> -> memref<80xi32, #tpu.memory_space<hbm>>
        %dma_start3A_87 = arith.constant 0 : i32
        %dma_start3A_88 = tpu.memref_slice %arg7[%run_scoped3A_39, %dma_start3A_87] : memref<2x80xi32, #tpu.memory_space<vmem>> -> memref<1x80xi32, #tpu.memory_space<vmem>>
        %dma_start3A_89 = tpu.memref_squeeze %dma_start3A_88 : memref<1x80xi32, #tpu.memory_space<vmem>> -> memref<80xi32, #tpu.memory_space<vmem>>
        %dma_start3A_90 = arith.constant 0 : i32
        %dma_start3A_91 = tpu.memref_slice %arg3[%add3A, %add3A_38, %dma_start3A_90] : memref<32x125x80xi32, #tpu.memory_space<hbm>> -> memref<1x1x80xi32, #tpu.memory_space<hbm>>
        %dma_start3A_92 = tpu.memref_squeeze %dma_start3A_91 : memref<1x1x80xi32, #tpu.memory_space<hbm>> -> memref<80xi32, #tpu.memory_space<hbm>>
        tpu.enqueue_dma source(%dma_start3A_92 : memref<80xi32, #tpu.memory_space<hbm>>) target(%dma_start3A_89 : memref<80xi32, #tpu.memory_space<vmem>>) target_semaphore(%run_scoped3A_80 : memref<!tpu.dma_semaphore, #tpu.memory_space<semaphore_mem>>)
        %dma_wait3A_93 = arith.constant 0 : i32
        %dma_wait3A_94 = tpu.memref_slice %arg7[%run_scoped3A_39, %dma_wait3A_93] : memref<2x80xi32, #tpu.memory_space<vmem>> -> memref<1x80xi32, #tpu.memory_space<vmem>>
        %dma_wait3A_95 = tpu.memref_squeeze %dma_wait3A_94 : memref<1x80xi32, #tpu.memory_space<vmem>> -> memref<80xi32, #tpu.memory_space<vmem>>
        %dma_wait3A_96 = arith.constant 0 : i32
        %dma_wait3A_97 = tpu.memref_slice %arg3[%add3A, %add3A_38, %dma_wait3A_96] : memref<32x125x80xi32, #tpu.memory_space<hbm>> -> memref<1x1x80xi32, #tpu.memory_space<hbm>>
        %dma_wait3A_98 = tpu.memref_squeeze %dma_wait3A_97 : memref<1x1x80xi32, #tpu.memory_space<hbm>> -> memref<80xi32, #tpu.memory_space<hbm>>
        %dma_wait3A_99 = arith.constant 0 : i32
        %dma_wait3A_100 = tpu.memref_slice %arg7[%run_scoped3A_39, %dma_wait3A_99] : memref<2x80xi32, #tpu.memory_space<vmem>> -> memref<1x80xi32, #tpu.memory_space<vmem>>
        %dma_wait3A_101 = tpu.memref_squeeze %dma_wait3A_100 : memref<1x80xi32, #tpu.memory_space<vmem>> -> memref<80xi32, #tpu.memory_space<vmem>>
        %dma_wait3A_102 = arith.constant 0 : i32
        %dma_wait3A_103 = tpu.memref_slice %arg3[%add3A, %add3A_38, %dma_wait3A_102] : memref<32x125x80xi32, #tpu.memory_space<hbm>> -> memref<1x1x80xi32, #tpu.memory_space<hbm>>
        %dma_wait3A_104 = tpu.memref_squeeze %dma_wait3A_103 : memref<1x1x80xi32, #tpu.memory_space<hbm>> -> memref<80xi32, #tpu.memory_space<hbm>>
        tpu.wait_dma2 semaphore(%run_scoped3A_80 : memref<!tpu.dma_semaphore, #tpu.memory_space<semaphore_mem>>) src(%dma_wait3A_104 : memref<80xi32, #tpu.memory_space<hbm>>) dst(%dma_wait3A_101 : memref<80xi32, #tpu.memory_space<vmem>>)
        tpu.yield
      }) : () -> ()
      %dma_start3A_40 = arith.constant 1 : i32
      %dma_start3A_41 = arith.constant 1 : i32
      %dma_start3A_42 = arith.constant 0 : i32
      %dma_start3A_43 = arith.constant 0 : i32
      %dma_start3A_44 = tpu.memref_slice %arg9[%dma_start3A_41, %dma_start3A_42, %dma_start3A_43] : memref<2x80x128xf32, #tpu.memory_space<vmem>> -> memref<1x80x128xf32, #tpu.memory_space<vmem>>
      %dma_start3A_45 = tpu.memref_squeeze %dma_start3A_44 : memref<1x80x128xf32, #tpu.memory_space<vmem>> -> memref<80x128xf32, #tpu.memory_space<vmem>>
      %dma_start3A_46 = arith.constant 0 : i32
      %dma_start3A_47 = tpu.memref_slice %arg7[%dma_start3A_40, %dma_start3A_46] : memref<2x80xi32, #tpu.memory_space<vmem>> -> memref<1x80xi32, #tpu.memory_space<vmem>>
      %dma_start3A_48 = tpu.memref_squeeze %dma_start3A_47 : memref<1x80xi32, #tpu.memory_space<vmem>> -> memref<80xi32, #tpu.memory_space<vmem>>
      %dma_start3A_49 = arith.constant 0 : i32
      %dma_start3A_50 = arith.constant 0 : i32
      %dma_start3A_51 = tpu.memref_slice %arg2[%dma_start3A_49, %dma_start3A_50] : memref<10000x128xf32, #tpu.memory_space<hbm>> -> memref<10000x128xf32, #tpu.memory_space<hbm>>
      tpu.enqueue_indirect_dma source(%dma_start3A_51 : memref<10000x128xf32, #tpu.memory_space<hbm>>) target(%dma_start3A_45 : memref<80x128xf32, #tpu.memory_space<vmem>>) offsets(%dma_start3A_48 : memref<80xi32, #tpu.memory_space<vmem>>) semaphore(%arg12 : memref<!tpu.dma_semaphore, #tpu.memory_space<semaphore_mem>>)
      %dma_wait3A_52 = arith.constant 0 : i32
      %dma_wait3A_53 = arith.constant 0 : i32
      %dma_wait3A_54 = arith.constant 0 : i32
      %dma_wait3A_55 = arith.constant 0 : i32
      %dma_wait3A_56 = tpu.memref_slice %arg9[%dma_wait3A_53, %dma_wait3A_54, %dma_wait3A_55] : memref<2x80x128xf32, #tpu.memory_space<vmem>> -> memref<1x80x128xf32, #tpu.memory_space<vmem>>
      %dma_wait3A_57 = tpu.memref_squeeze %dma_wait3A_56 : memref<1x80x128xf32, #tpu.memory_space<vmem>> -> memref<80x128xf32, #tpu.memory_space<vmem>>
      %dma_wait3A_58 = arith.constant 0 : i32
      %dma_wait3A_59 = tpu.memref_slice %arg7[%dma_wait3A_52, %dma_wait3A_58] : memref<2x80xi32, #tpu.memory_space<vmem>> -> memref<1x80xi32, #tpu.memory_space<vmem>>
      %dma_wait3A_60 = tpu.memref_squeeze %dma_wait3A_59 : memref<1x80xi32, #tpu.memory_space<vmem>> -> memref<80xi32, #tpu.memory_space<vmem>>
      %dma_wait3A_61 = arith.constant 0 : i32
      %dma_wait3A_62 = arith.constant 0 : i32
      %dma_wait3A_63 = tpu.memref_slice %arg2[%dma_wait3A_61, %dma_wait3A_62] : memref<10000x128xf32, #tpu.memory_space<hbm>> -> memref<10000x128xf32, #tpu.memory_space<hbm>>
      tpu.wait_indirect_dma semaphore(%arg11 : memref<!tpu.dma_semaphore, #tpu.memory_space<semaphore_mem>>) src(%dma_wait3A_63 : memref<10000x128xf32, #tpu.memory_space<hbm>>) dst(%dma_wait3A_57 : memref<80x128xf32, #tpu.memory_space<vmem>>)
      %add3A_64 = arith.constant 2 : i32
      %add3A_65 = arith.addi %mul3A_36, %add3A_64 : i32
      %lt3A = arith.constant 125 : i32
      %lt3A_66 = arith.cmpi slt, %add3A_65, %lt3A : i32
      %convert_element_type3A = arith.extui %lt3A_66 : i1 to i32
      %cond3A = arith.constant 0 : i32
      %cond3A_67 = arith.cmpi ne, %convert_element_type3A, %cond3A : i32
      scf.if %cond3A_67 {
        %add3A_80 = arith.constant 2 : i32
        %add3A_81 = arith.addi %mul3A_36, %add3A_80 : i32
        %run_scoped3A_82 = arith.constant 0 : i32
        "tpu.region"() ({
          %run_scoped3A_95 = tpu.sem_alloc : memref<!tpu.dma_semaphore, #tpu.memory_space<semaphore_mem>>
          %dma_start3A_96 = arith.constant 0 : i32
          %dma_start3A_97 = tpu.memref_slice %arg7[%run_scoped3A_82, %dma_start3A_96] : memref<2x80xi32, #tpu.memory_space<vmem>> -> memref<1x80xi32, #tpu.memory_space<vmem>>
          %dma_start3A_98 = tpu.memref_squeeze %dma_start3A_97 : memref<1x80xi32, #tpu.memory_space<vmem>> -> memref<80xi32, #tpu.memory_space<vmem>>
          %dma_start3A_99 = arith.constant 0 : i32
          %dma_start3A_100 = tpu.memref_slice %arg3[%add3A, %add3A_81, %dma_start3A_99] : memref<32x125x80xi32, #tpu.memory_space<hbm>> -> memref<1x1x80xi32, #tpu.memory_space<hbm>>
          %dma_start3A_101 = tpu.memref_squeeze %dma_start3A_100 : memref<1x1x80xi32, #tpu.memory_space<hbm>> -> memref<80xi32, #tpu.memory_space<hbm>>
          %dma_start3A_102 = arith.constant 0 : i32
          %dma_start3A_103 = tpu.memref_slice %arg7[%run_scoped3A_82, %dma_start3A_102] : memref<2x80xi32, #tpu.memory_space<vmem>> -> memref<1x80xi32, #tpu.memory_space<vmem>>
          %dma_start3A_104 = tpu.memref_squeeze %dma_start3A_103 : memref<1x80xi32, #tpu.memory_space<vmem>> -> memref<80xi32, #tpu.memory_space<vmem>>
          %dma_start3A_105 = arith.constant 0 : i32
          %dma_start3A_106 = tpu.memref_slice %arg3[%add3A, %add3A_81, %dma_start3A_105] : memref<32x125x80xi32, #tpu.memory_space<hbm>> -> memref<1x1x80xi32, #tpu.memory_space<hbm>>
          %dma_start3A_107 = tpu.memref_squeeze %dma_start3A_106 : memref<1x1x80xi32, #tpu.memory_space<hbm>> -> memref<80xi32, #tpu.memory_space<hbm>>
          tpu.enqueue_dma source(%dma_start3A_107 : memref<80xi32, #tpu.memory_space<hbm>>) target(%dma_start3A_104 : memref<80xi32, #tpu.memory_space<vmem>>) target_semaphore(%run_scoped3A_95 : memref<!tpu.dma_semaphore, #tpu.memory_space<semaphore_mem>>)
          %dma_wait3A_108 = arith.constant 0 : i32
          %dma_wait3A_109 = tpu.memref_slice %arg7[%run_scoped3A_82, %dma_wait3A_108] : memref<2x80xi32, #tpu.memory_space<vmem>> -> memref<1x80xi32, #tpu.memory_space<vmem>>
          %dma_wait3A_110 = tpu.memref_squeeze %dma_wait3A_109 : memref<1x80xi32, #tpu.memory_space<vmem>> -> memref<80xi32, #tpu.memory_space<vmem>>
          %dma_wait3A_111 = arith.constant 0 : i32
          %dma_wait3A_112 = tpu.memref_slice %arg3[%add3A, %add3A_81, %dma_wait3A_111] : memref<32x125x80xi32, #tpu.memory_space<hbm>> -> memref<1x1x80xi32, #tpu.memory_space<hbm>>
          %dma_wait3A_113 = tpu.memref_squeeze %dma_wait3A_112 : memref<1x1x80xi32, #tpu.memory_space<hbm>> -> memref<80xi32, #tpu.memory_space<hbm>>
          %dma_wait3A_114 = arith.constant 0 : i32
          %dma_wait3A_115 = tpu.memref_slice %arg7[%run_scoped3A_82, %dma_wait3A_114] : memref<2x80xi32, #tpu.memory_space<vmem>> -> memref<1x80xi32, #tpu.memory_space<vmem>>
          %dma_wait3A_116 = tpu.memref_squeeze %dma_wait3A_115 : memref<1x80xi32, #tpu.memory_space<vmem>> -> memref<80xi32, #tpu.memory_space<vmem>>
          %dma_wait3A_117 = arith.constant 0 : i32
          %dma_wait3A_118 = tpu.memref_slice %arg3[%add3A, %add3A_81, %dma_wait3A_117] : memref<32x125x80xi32, #tpu.memory_space<hbm>> -> memref<1x1x80xi32, #tpu.memory_space<hbm>>
          %dma_wait3A_119 = tpu.memref_squeeze %dma_wait3A_118 : memref<1x1x80xi32, #tpu.memory_space<hbm>> -> memref<80xi32, #tpu.memory_space<hbm>>
          tpu.wait_dma2 semaphore(%run_scoped3A_95 : memref<!tpu.dma_semaphore, #tpu.memory_space<semaphore_mem>>) src(%dma_wait3A_119 : memref<80xi32, #tpu.memory_space<hbm>>) dst(%dma_wait3A_116 : memref<80xi32, #tpu.memory_space<vmem>>)
          tpu.yield
        }) : () -> ()
        %dma_start3A_83 = arith.constant 0 : i32
        %dma_start3A_84 = arith.constant 0 : i32
        %dma_start3A_85 = arith.constant 0 : i32
        %dma_start3A_86 = arith.constant 0 : i32
        %dma_start3A_87 = tpu.memref_slice %arg9[%dma_start3A_84, %dma_start3A_85, %dma_start3A_86] : memref<2x80x128xf32, #tpu.memory_space<vmem>> -> memref<1x80x128xf32, #tpu.memory_space<vmem>>
        %dma_start3A_88 = tpu.memref_squeeze %dma_start3A_87 : memref<1x80x128xf32, #tpu.memory_space<vmem>> -> memref<80x128xf32, #tpu.memory_space<vmem>>
        %dma_start3A_89 = arith.constant 0 : i32
        %dma_start3A_90 = tpu.memref_slice %arg7[%dma_start3A_83, %dma_start3A_89] : memref<2x80xi32, #tpu.memory_space<vmem>> -> memref<1x80xi32, #tpu.memory_space<vmem>>
        %dma_start3A_91 = tpu.memref_squeeze %dma_start3A_90 : memref<1x80xi32, #tpu.memory_space<vmem>> -> memref<80xi32, #tpu.memory_space<vmem>>
        %dma_start3A_92 = arith.constant 0 : i32
        %dma_start3A_93 = arith.constant 0 : i32
        %dma_start3A_94 = tpu.memref_slice %arg2[%dma_start3A_92, %dma_start3A_93] : memref<10000x128xf32, #tpu.memory_space<hbm>> -> memref<10000x128xf32, #tpu.memory_space<hbm>>
        tpu.enqueue_indirect_dma source(%dma_start3A_94 : memref<10000x128xf32, #tpu.memory_space<hbm>>) target(%dma_start3A_88 : memref<80x128xf32, #tpu.memory_space<vmem>>) offsets(%dma_start3A_91 : memref<80xi32, #tpu.memory_space<vmem>>) semaphore(%arg11 : memref<!tpu.dma_semaphore, #tpu.memory_space<semaphore_mem>>)
      } else {
      }
      %dma_wait3A_68 = arith.constant 1 : i32
      %dma_wait3A_69 = arith.constant 1 : i32
      %dma_wait3A_70 = arith.constant 0 : i32
      %dma_wait3A_71 = arith.constant 0 : i32
      %dma_wait3A_72 = tpu.memref_slice %arg9[%dma_wait3A_69, %dma_wait3A_70, %dma_wait3A_71] : memref<2x80x128xf32, #tpu.memory_space<vmem>> -> memref<1x80x128xf32, #tpu.memory_space<vmem>>
      %dma_wait3A_73 = tpu.memref_squeeze %dma_wait3A_72 : memref<1x80x128xf32, #tpu.memory_space<vmem>> -> memref<80x128xf32, #tpu.memory_space<vmem>>
      %dma_wait3A_74 = arith.constant 0 : i32
      %dma_wait3A_75 = tpu.memref_slice %arg7[%dma_wait3A_68, %dma_wait3A_74] : memref<2x80xi32, #tpu.memory_space<vmem>> -> memref<1x80xi32, #tpu.memory_space<vmem>>
      %dma_wait3A_76 = tpu.memref_squeeze %dma_wait3A_75 : memref<1x80xi32, #tpu.memory_space<vmem>> -> memref<80xi32, #tpu.memory_space<vmem>>
      %dma_wait3A_77 = arith.constant 0 : i32
      %dma_wait3A_78 = arith.constant 0 : i32
      %dma_wait3A_79 = tpu.memref_slice %arg2[%dma_wait3A_77, %dma_wait3A_78] : memref<10000x128xf32, #tpu.memory_space<hbm>> -> memref<10000x128xf32, #tpu.memory_space<hbm>>
      tpu.wait_indirect_dma semaphore(%arg12 : memref<!tpu.dma_semaphore, #tpu.memory_space<semaphore_mem>>) src(%dma_wait3A_79 : memref<10000x128xf32, #tpu.memory_space<hbm>>) dst(%dma_wait3A_73 : memref<80x128xf32, #tpu.memory_space<vmem>>)
    }
    %scan3A_19 = arith.constant 62 : i32
    %dma_wait3A = arith.constant 0 : i32
    %dma_wait3A_20 = arith.constant 0 : i32
    %dma_wait3A_21 = arith.constant 0 : i32
    %dma_wait3A_22 = arith.constant 0 : i32
    %dma_wait3A_23 = tpu.memref_slice %arg9[%dma_wait3A_20, %dma_wait3A_21, %dma_wait3A_22] : memref<2x80x128xf32, #tpu.memory_space<vmem>> -> memref<1x80x128xf32, #tpu.memory_space<vmem>>
    %dma_wait3A_24 = tpu.memref_squeeze %dma_wait3A_23 : memref<1x80x128xf32, #tpu.memory_space<vmem>> -> memref<80x128xf32, #tpu.memory_space<vmem>>
    %dma_wait3A_25 = arith.constant 0 : i32
    %dma_wait3A_26 = tpu.memref_slice %arg7[%dma_wait3A, %dma_wait3A_25] : memref<2x80xi32, #tpu.memory_space<vmem>> -> memref<1x80xi32, #tpu.memory_space<vmem>>
    %dma_wait3A_27 = tpu.memref_squeeze %dma_wait3A_26 : memref<1x80xi32, #tpu.memory_space<vmem>> -> memref<80xi32, #tpu.memory_space<vmem>>
    %dma_wait3A_28 = arith.constant 0 : i32
    %dma_wait3A_29 = arith.constant 0 : i32
    %dma_wait3A_30 = tpu.memref_slice %arg2[%dma_wait3A_28, %dma_wait3A_29] : memref<10000x128xf32, #tpu.memory_space<hbm>> -> memref<10000x128xf32, #tpu.memory_space<hbm>>
    tpu.wait_indirect_dma semaphore(%arg11 : memref<!tpu.dma_semaphore, #tpu.memory_space<semaphore_mem>>) src(%dma_wait3A_30 : memref<10000x128xf32, #tpu.memory_space<hbm>>) dst(%dma_wait3A_24 : memref<80x128xf32, #tpu.memory_space<vmem>>)
    %run_scoped3A_31 = arith.constant 0 : i32
    %run_scoped3A_32 = arith.constant 124 : i32
    "tpu.region"() ({
      %run_scoped3A_34 = tpu.sem_alloc : memref<!tpu.dma_semaphore, #tpu.memory_space<semaphore_mem>>
      %dma_start3A_35 = arith.constant 0 : i32
      %dma_start3A_36 = arith.constant 0 : i32
      %dma_start3A_37 = tpu.memref_slice %arg9[%run_scoped3A_31, %dma_start3A_35, %dma_start3A_36] : memref<2x80x128xf32, #tpu.memory_space<vmem>> -> memref<1x80x128xf32, #tpu.memory_space<vmem>>
      %dma_start3A_38 = tpu.memref_squeeze %dma_start3A_37 : memref<1x80x128xf32, #tpu.memory_space<vmem>> -> memref<80x128xf32, #tpu.memory_space<vmem>>
      %dma_start3A_39 = arith.constant 0 : i32
      %dma_start3A_40 = tpu.memref_slice %arg8[%run_scoped3A_32, %dma_start3A_39] : memref<125x80xi32, #tpu.memory_space<vmem>> -> memref<1x80xi32, #tpu.memory_space<vmem>>
      %dma_start3A_41 = tpu.memref_squeeze %dma_start3A_40 : memref<1x80xi32, #tpu.memory_space<vmem>> -> memref<80xi32, #tpu.memory_space<vmem>>
      %dma_start3A_42 = arith.constant 0 : i32
      %dma_start3A_43 = arith.constant 0 : i32
      %dma_start3A_44 = tpu.memref_slice %arg10[%dma_start3A_42, %dma_start3A_43] : memref<10240x128xf32, #tpu.memory_space<vmem_shared>> -> memref<10240x128xf32, #tpu.memory_space<vmem_shared>>
      tpu.enqueue_indirect_dma source(%dma_start3A_38 : memref<80x128xf32, #tpu.memory_space<vmem>>) target(%dma_start3A_44 : memref<10240x128xf32, #tpu.memory_space<vmem_shared>>) offsets(%dma_start3A_41 : memref<80xi32, #tpu.memory_space<vmem>>) semaphore(%run_scoped3A_34 : memref<!tpu.dma_semaphore, #tpu.memory_space<semaphore_mem>>) {add = true}
      %dma_wait3A_45 = arith.constant 0 : i32
      %dma_wait3A_46 = arith.constant 0 : i32
      %dma_wait3A_47 = tpu.memref_slice %arg9[%run_scoped3A_31, %dma_wait3A_45, %dma_wait3A_46] : memref<2x80x128xf32, #tpu.memory_space<vmem>> -> memref<1x80x128xf32, #tpu.memory_space<vmem>>
      %dma_wait3A_48 = tpu.memref_squeeze %dma_wait3A_47 : memref<1x80x128xf32, #tpu.memory_space<vmem>> -> memref<80x128xf32, #tpu.memory_space<vmem>>
      %dma_wait3A_49 = arith.constant 0 : i32
      %dma_wait3A_50 = tpu.memref_slice %arg8[%run_scoped3A_32, %dma_wait3A_49] : memref<125x80xi32, #tpu.memory_space<vmem>> -> memref<1x80xi32, #tpu.memory_space<vmem>>
      %dma_wait3A_51 = tpu.memref_squeeze %dma_wait3A_50 : memref<1x80xi32, #tpu.memory_space<vmem>> -> memref<80xi32, #tpu.memory_space<vmem>>
      %dma_wait3A_52 = arith.constant 0 : i32
      %dma_wait3A_53 = arith.constant 0 : i32
      %dma_wait3A_54 = tpu.memref_slice %arg10[%dma_wait3A_52, %dma_wait3A_53] : memref<10240x128xf32, #tpu.memory_space<vmem_shared>> -> memref<10240x128xf32, #tpu.memory_space<vmem_shared>>
      tpu.wait_indirect_dma semaphore(%run_scoped3A_34 : memref<!tpu.dma_semaphore, #tpu.memory_space<semaphore_mem>>) src(%dma_wait3A_48 : memref<80x128xf32, #tpu.memory_space<vmem>>) dst(%dma_wait3A_54 : memref<10240x128xf32, #tpu.memory_space<vmem_shared>>)
      tpu.yield
    }) : () -> ()
    %barrier3A_33 = arith.constant 0 : index
    tpu.barrier barrier_id(%barrier3A_33)
    "tpu.region"() ({
      %run_scoped3A_34 = tpu.sem_alloc : memref<!tpu.dma_semaphore, #tpu.memory_space<semaphore_mem>>
      %dma_start3A_35 = arith.constant 0 : i32
      %dma_start3A_36 = tpu.memref_slice %arg6[%arg0, %mul3A_2, %dma_start3A_35] : memref<2x10240x128xf32, #tpu.memory_space<hbm>> -> memref<1x640x128xf32, #tpu.memory_space<hbm>>
      %dma_start3A_37 = tpu.memref_squeeze %dma_start3A_36 : memref<1x640x128xf32, #tpu.memory_space<hbm>> -> memref<640x128xf32, #tpu.memory_space<hbm>>
      %dma_start3A_38 = arith.constant 0 : i32
      %dma_start3A_39 = tpu.memref_slice %arg10[%mul3A_2, %dma_start3A_38] : memref<10240x128xf32, #tpu.memory_space<vmem_shared>> -> memref<640x128xf32, #tpu.memory_space<vmem_shared>>
      tpu.enqueue_dma source(%dma_start3A_39 : memref<640x128xf32, #tpu.memory_space<vmem_shared>>) target(%dma_start3A_37 : memref<640x128xf32, #tpu.memory_space<hbm>>) target_semaphore(%run_scoped3A_34 : memref<!tpu.dma_semaphore, #tpu.memory_space<semaphore_mem>>)
      %dma_wait3A_40 = arith.constant 0 : i32
      %dma_wait3A_41 = tpu.memref_slice %arg6[%arg0, %mul3A_2, %dma_wait3A_40] : memref<2x10240x128xf32, #tpu.memory_space<hbm>> -> memref<1x640x128xf32, #tpu.memory_space<hbm>>
      %dma_wait3A_42 = tpu.memref_squeeze %dma_wait3A_41 : memref<1x640x128xf32, #tpu.memory_space<hbm>> -> memref<640x128xf32, #tpu.memory_space<hbm>>
      %dma_wait3A_43 = arith.constant 0 : i32
      %dma_wait3A_44 = tpu.memref_slice %arg10[%mul3A_2, %dma_wait3A_43] : memref<10240x128xf32, #tpu.memory_space<vmem_shared>> -> memref<640x128xf32, #tpu.memory_space<vmem_shared>>
      tpu.wait_dma2 semaphore(%run_scoped3A_34 : memref<!tpu.dma_semaphore, #tpu.memory_space<semaphore_mem>>) src(%dma_wait3A_44 : memref<640x128xf32, #tpu.memory_space<vmem_shared>>) dst(%dma_wait3A_42 : memref<640x128xf32, #tpu.memory_space<hbm>>)
      tpu.yield
    }) : () -> ()
    return
  }
}

#map = affine_map<(d0, d1) -> (0, 0, 0)>
#map1 = affine_map<(d0, d1) -> (0)>
#map2 = affine_map<(d0, d1) -> (0, 0)>
module attributes {stable_mosaic.version = 14 : i64} {
  func.func @deg_kernel(%arg0: i32, %arg1: i32, %arg2: memref<32x125x80xi32, #tpu.memory_space<hbm>>, %arg3: memref<80xf32, #tpu.memory_space<hbm>>, %arg4: memref<640xf32, #tpu.memory_space<hbm>>, %arg5: memref<2x10240xf32, #tpu.memory_space<hbm>>, %arg6: memref<125x80xi32, #tpu.memory_space<vmem>>, %arg7: memref<80xf32, #tpu.memory_space<vmem>>, %arg8: memref<10240xf32, #tpu.memory_space<vmem_shared>>) attributes {dimension_semantics = [#tpu.dimension_semantics<core_parallel>, #tpu.dimension_semantics<subcore_parallel>], iteration_bounds = array<i64: 2, 16>, scalar_prefetch = 0 : i64, scratch_operands = 3 : i64, tpu.core_type = #tpu.core_type<sc_vector_subcore>, window_params = [{transform_indices = #map}, {transform_indices = #map1}, {transform_indices = #map1}, {transform_indices = #map2}]} {
    %mul3A = arith.constant 16 : i32
    %mul3A_0 = arith.muli %arg0, %mul3A : i32
    %add3A = arith.addi %mul3A_0, %arg1 : i32
    %mul3A_1 = arith.constant 640 : i32
    %mul3A_2 = arith.muli %arg1, %mul3A_1 : i32
    "tpu.region"() ({
      %run_scoped3A = tpu.sem_alloc : memref<!tpu.dma_semaphore, #tpu.memory_space<semaphore_mem>>
      %dma_start3A = tpu.memref_slice %arg8[%mul3A_2] : memref<10240xf32, #tpu.memory_space<vmem_shared>> -> memref<640xf32, #tpu.memory_space<vmem_shared>>
      tpu.enqueue_dma source(%arg4 : memref<640xf32, #tpu.memory_space<hbm>>) target(%dma_start3A : memref<640xf32, #tpu.memory_space<vmem_shared>>) target_semaphore(%run_scoped3A : memref<!tpu.dma_semaphore, #tpu.memory_space<semaphore_mem>>)
      %dma_wait3A = tpu.memref_slice %arg8[%mul3A_2] : memref<10240xf32, #tpu.memory_space<vmem_shared>> -> memref<640xf32, #tpu.memory_space<vmem_shared>>
      tpu.wait_dma2 semaphore(%run_scoped3A : memref<!tpu.dma_semaphore, #tpu.memory_space<semaphore_mem>>) src(%arg4 : memref<640xf32, #tpu.memory_space<hbm>>) dst(%dma_wait3A : memref<640xf32, #tpu.memory_space<vmem_shared>>)
      tpu.yield
    }) : () -> ()
    "tpu.region"() ({
      %run_scoped3A = tpu.sem_alloc : memref<!tpu.dma_semaphore, #tpu.memory_space<semaphore_mem>>
      tpu.enqueue_dma source(%arg3 : memref<80xf32, #tpu.memory_space<hbm>>) target(%arg7 : memref<80xf32, #tpu.memory_space<vmem>>) target_semaphore(%run_scoped3A : memref<!tpu.dma_semaphore, #tpu.memory_space<semaphore_mem>>)
      tpu.wait_dma2 semaphore(%run_scoped3A : memref<!tpu.dma_semaphore, #tpu.memory_space<semaphore_mem>>) src(%arg3 : memref<80xf32, #tpu.memory_space<hbm>>) dst(%arg7 : memref<80xf32, #tpu.memory_space<vmem>>)
      tpu.yield
    }) : () -> ()
    "tpu.region"() ({
      %run_scoped3A = tpu.sem_alloc : memref<!tpu.dma_semaphore, #tpu.memory_space<semaphore_mem>>
      %dma_start3A = arith.constant 0 : i32
      %dma_start3A_9 = arith.constant 0 : i32
      %dma_start3A_10 = tpu.memref_slice %arg2[%add3A, %dma_start3A, %dma_start3A_9] : memref<32x125x80xi32, #tpu.memory_space<hbm>> -> memref<1x125x80xi32, #tpu.memory_space<hbm>>
      %dma_start3A_11 = tpu.memref_squeeze %dma_start3A_10 : memref<1x125x80xi32, #tpu.memory_space<hbm>> -> memref<125x80xi32, #tpu.memory_space<hbm>>
      %dma_start3A_12 = arith.constant 0 : i32
      %dma_start3A_13 = arith.constant 0 : i32
      %dma_start3A_14 = tpu.memref_slice %arg2[%add3A, %dma_start3A_12, %dma_start3A_13] : memref<32x125x80xi32, #tpu.memory_space<hbm>> -> memref<1x125x80xi32, #tpu.memory_space<hbm>>
      %dma_start3A_15 = tpu.memref_squeeze %dma_start3A_14 : memref<1x125x80xi32, #tpu.memory_space<hbm>> -> memref<125x80xi32, #tpu.memory_space<hbm>>
      tpu.enqueue_dma source(%dma_start3A_15 : memref<125x80xi32, #tpu.memory_space<hbm>>) target(%arg6 : memref<125x80xi32, #tpu.memory_space<vmem>>) target_semaphore(%run_scoped3A : memref<!tpu.dma_semaphore, #tpu.memory_space<semaphore_mem>>)
      %dma_wait3A = arith.constant 0 : i32
      %dma_wait3A_16 = arith.constant 0 : i32
      %dma_wait3A_17 = tpu.memref_slice %arg2[%add3A, %dma_wait3A, %dma_wait3A_16] : memref<32x125x80xi32, #tpu.memory_space<hbm>> -> memref<1x125x80xi32, #tpu.memory_space<hbm>>
      %dma_wait3A_18 = tpu.memref_squeeze %dma_wait3A_17 : memref<1x125x80xi32, #tpu.memory_space<hbm>> -> memref<125x80xi32, #tpu.memory_space<hbm>>
      %dma_wait3A_19 = arith.constant 0 : i32
      %dma_wait3A_20 = arith.constant 0 : i32
      %dma_wait3A_21 = tpu.memref_slice %arg2[%add3A, %dma_wait3A_19, %dma_wait3A_20] : memref<32x125x80xi32, #tpu.memory_space<hbm>> -> memref<1x125x80xi32, #tpu.memory_space<hbm>>
      %dma_wait3A_22 = tpu.memref_squeeze %dma_wait3A_21 : memref<1x125x80xi32, #tpu.memory_space<hbm>> -> memref<125x80xi32, #tpu.memory_space<hbm>>
      tpu.wait_dma2 semaphore(%run_scoped3A : memref<!tpu.dma_semaphore, #tpu.memory_space<semaphore_mem>>) src(%dma_wait3A_22 : memref<125x80xi32, #tpu.memory_space<hbm>>) dst(%arg6 : memref<125x80xi32, #tpu.memory_space<vmem>>)
      tpu.yield
    }) : () -> ()
    %barrier3A = arith.constant 0 : index
    tpu.barrier barrier_id(%barrier3A)
    %scan3A = arith.constant 0 : i32
    %scan3A_3 = arith.constant 0 : i32
    %scan3A_4 = arith.constant 125 : i32
    %scan3A_5 = arith.addi %scan3A_3, %scan3A_4 : i32
    %scan3A_6 = arith.constant 1 : i32
    scf.for %scan3A_9 = %scan3A_3 to %scan3A_5 step %scan3A_6  : i32 {
      "tpu.region"() ({
        %run_scoped3A = tpu.sem_alloc : memref<!tpu.dma_semaphore, #tpu.memory_space<semaphore_mem>>
        %dma_start3A = arith.constant 0 : i32
        %dma_start3A_10 = tpu.memref_slice %arg6[%scan3A_9, %dma_start3A] : memref<125x80xi32, #tpu.memory_space<vmem>> -> memref<1x80xi32, #tpu.memory_space<vmem>>
        %dma_start3A_11 = tpu.memref_squeeze %dma_start3A_10 : memref<1x80xi32, #tpu.memory_space<vmem>> -> memref<80xi32, #tpu.memory_space<vmem>>
        %dma_start3A_12 = arith.constant 0 : i32
        %dma_start3A_13 = tpu.memref_slice %arg8[%dma_start3A_12] : memref<10240xf32, #tpu.memory_space<vmem_shared>> -> memref<10240xf32, #tpu.memory_space<vmem_shared>>
        tpu.enqueue_indirect_dma source(%arg7 : memref<80xf32, #tpu.memory_space<vmem>>) target(%dma_start3A_13 : memref<10240xf32, #tpu.memory_space<vmem_shared>>) offsets(%dma_start3A_11 : memref<80xi32, #tpu.memory_space<vmem>>) semaphore(%run_scoped3A : memref<!tpu.dma_semaphore, #tpu.memory_space<semaphore_mem>>) {add = true}
        %dma_wait3A = arith.constant 0 : i32
        %dma_wait3A_14 = tpu.memref_slice %arg6[%scan3A_9, %dma_wait3A] : memref<125x80xi32, #tpu.memory_space<vmem>> -> memref<1x80xi32, #tpu.memory_space<vmem>>
        %dma_wait3A_15 = tpu.memref_squeeze %dma_wait3A_14 : memref<1x80xi32, #tpu.memory_space<vmem>> -> memref<80xi32, #tpu.memory_space<vmem>>
        %dma_wait3A_16 = arith.constant 0 : i32
        %dma_wait3A_17 = tpu.memref_slice %arg8[%dma_wait3A_16] : memref<10240xf32, #tpu.memory_space<vmem_shared>> -> memref<10240xf32, #tpu.memory_space<vmem_shared>>
        tpu.wait_indirect_dma semaphore(%run_scoped3A : memref<!tpu.dma_semaphore, #tpu.memory_space<semaphore_mem>>) src(%arg7 : memref<80xf32, #tpu.memory_space<vmem>>) dst(%dma_wait3A_17 : memref<10240xf32, #tpu.memory_space<vmem_shared>>)
        tpu.yield
      }) : () -> ()
    }
    %scan3A_7 = arith.constant 125 : i32
    %barrier3A_8 = arith.constant 0 : index
    tpu.barrier barrier_id(%barrier3A_8)
    "tpu.region"() ({
      %run_scoped3A = tpu.sem_alloc : memref<!tpu.dma_semaphore, #tpu.memory_space<semaphore_mem>>
      %dma_start3A = tpu.memref_slice %arg5[%arg0, %mul3A_2] : memref<2x10240xf32, #tpu.memory_space<hbm>> -> memref<1x640xf32, #tpu.memory_space<hbm>>
      %dma_start3A_9 = tpu.memref_squeeze %dma_start3A : memref<1x640xf32, #tpu.memory_space<hbm>> -> memref<640xf32, #tpu.memory_space<hbm>>
      %dma_start3A_10 = tpu.memref_slice %arg8[%mul3A_2] : memref<10240xf32, #tpu.memory_space<vmem_shared>> -> memref<640xf32, #tpu.memory_space<vmem_shared>>
      tpu.enqueue_dma source(%dma_start3A_10 : memref<640xf32, #tpu.memory_space<vmem_shared>>) target(%dma_start3A_9 : memref<640xf32, #tpu.memory_space<hbm>>) target_semaphore(%run_scoped3A : memref<!tpu.dma_semaphore, #tpu.memory_space<semaphore_mem>>)
      %dma_wait3A = tpu.memref_slice %arg5[%arg0, %mul3A_2] : memref<2x10240xf32, #tpu.memory_space<hbm>> -> memref<1x640xf32, #tpu.memory_space<hbm>>
      %dma_wait3A_11 = tpu.memref_squeeze %dma_wait3A : memref<1x640xf32, #tpu.memory_space<hbm>> -> memref<640xf32, #tpu.memory_space<hbm>>
      %dma_wait3A_12 = tpu.memref_slice %arg8[%mul3A_2] : memref<10240xf32, #tpu.memory_space<vmem_shared>> -> memref<640xf32, #tpu.memory_space<vmem_shared>>
      tpu.wait_dma2 semaphore(%run_scoped3A : memref<!tpu.dma_semaphore, #tpu.memory_space<semaphore_mem>>) src(%dma_wait3A_12 : memref<640xf32, #tpu.memory_space<vmem_shared>>) dst(%dma_wait3A_11 : memref<640xf32, #tpu.memory_space<hbm>>)
      tpu.yield
    }) : () -> ()
    return
  }
}

#map = affine_map<(d0, d1) -> (0, 0)>
#map1 = affine_map<(d0, d1) -> (0, 0, 0)>
module attributes {stable_mosaic.version = 14 : i64} {
  func.func @agg_kernel(%arg0: i32, %arg1: i32, %arg2: memref<10000x128xf32, #tpu.memory_space<hbm>>, %arg3: memref<32x125x80xi32, #tpu.memory_space<hbm>>, %arg4: memref<32x125x80xi32, #tpu.memory_space<hbm>>, %arg5: memref<640x128xf32, #tpu.memory_space<hbm>>, %arg6: memref<2x10240x128xf32, #tpu.memory_space<hbm>>, %arg7: memref<2x80xi32, #tpu.memory_space<vmem>>, %arg8: memref<125x80xi32, #tpu.memory_space<vmem>>, %arg9: memref<2x80x128xf32, #tpu.memory_space<vmem>>, %arg10: memref<10240x128xf32, #tpu.memory_space<vmem_shared>>, %arg11: memref<!tpu.dma_semaphore, #tpu.memory_space<semaphore_mem>>, %arg12: memref<!tpu.dma_semaphore, #tpu.memory_space<semaphore_mem>>) attributes {dimension_semantics = [#tpu.dimension_semantics<core_parallel>, #tpu.dimension_semantics<subcore_parallel>], iteration_bounds = array<i64: 2, 16>, scalar_prefetch = 0 : i64, scratch_operands = 6 : i64, tpu.core_type = #tpu.core_type<sc_vector_subcore>, window_params = [{transform_indices = #map}, {transform_indices = #map1}, {transform_indices = #map1}, {transform_indices = #map}, {transform_indices = #map1}]} {
    %mul3A = arith.constant 16 : i32
    %mul3A_0 = arith.muli %arg0, %mul3A : i32
    %add3A = arith.addi %mul3A_0, %arg1 : i32
    %mul3A_1 = arith.constant 640 : i32
    %mul3A_2 = arith.muli %arg1, %mul3A_1 : i32
    "tpu.region"() ({
      %run_scoped3A_34 = tpu.sem_alloc : memref<!tpu.dma_semaphore, #tpu.memory_space<semaphore_mem>>
      %dma_start3A_35 = arith.constant 0 : i32
      %dma_start3A_36 = tpu.memref_slice %arg10[%mul3A_2, %dma_start3A_35] : memref<10240x128xf32, #tpu.memory_space<vmem_shared>> -> memref<640x128xf32, #tpu.memory_space<vmem_shared>>
      tpu.enqueue_dma source(%arg5 : memref<640x128xf32, #tpu.memory_space<hbm>>) target(%dma_start3A_36 : memref<640x128xf32, #tpu.memory_space<vmem_shared>>) target_semaphore(%run_scoped3A_34 : memref<!tpu.dma_semaphore, #tpu.memory_space<semaphore_mem>>)
      %dma_wait3A_37 = arith.constant 0 : i32
      %dma_wait3A_38 = tpu.memref_slice %arg10[%mul3A_2, %dma_wait3A_37] : memref<10240x128xf32, #tpu.memory_space<vmem_shared>> -> memref<640x128xf32, #tpu.memory_space<vmem_shared>>
      tpu.wait_dma2 semaphore(%run_scoped3A_34 : memref<!tpu.dma_semaphore, #tpu.memory_space<semaphore_mem>>) src(%arg5 : memref<640x128xf32, #tpu.memory_space<hbm>>) dst(%dma_wait3A_38 : memref<640x128xf32, #tpu.memory_space<vmem_shared>>)
      tpu.yield
    }) : () -> ()
    "tpu.region"() ({
      %run_scoped3A_34 = tpu.sem_alloc : memref<!tpu.dma_semaphore, #tpu.memory_space<semaphore_mem>>
      %dma_start3A_35 = arith.constant 0 : i32
      %dma_start3A_36 = arith.constant 0 : i32
      %dma_start3A_37 = tpu.memref_slice %arg4[%add3A, %dma_start3A_35, %dma_start3A_36] : memref<32x125x80xi32, #tpu.memory_space<hbm>> -> memref<1x125x80xi32, #tpu.memory_space<hbm>>
      %dma_start3A_38 = tpu.memref_squeeze %dma_start3A_37 : memref<1x125x80xi32, #tpu.memory_space<hbm>> -> memref<125x80xi32, #tpu.memory_space<hbm>>
      %dma_start3A_39 = arith.constant 0 : i32
      %dma_start3A_40 = arith.constant 0 : i32
      %dma_start3A_41 = tpu.memref_slice %arg4[%add3A, %dma_start3A_39, %dma_start3A_40] : memref<32x125x80xi32, #tpu.memory_space<hbm>> -> memref<1x125x80xi32, #tpu.memory_space<hbm>>
      %dma_start3A_42 = tpu.memref_squeeze %dma_start3A_41 : memref<1x125x80xi32, #tpu.memory_space<hbm>> -> memref<125x80xi32, #tpu.memory_space<hbm>>
      tpu.enqueue_dma source(%dma_start3A_42 : memref<125x80xi32, #tpu.memory_space<hbm>>) target(%arg8 : memref<125x80xi32, #tpu.memory_space<vmem>>) target_semaphore(%run_scoped3A_34 : memref<!tpu.dma_semaphore, #tpu.memory_space<semaphore_mem>>)
      %dma_wait3A_43 = arith.constant 0 : i32
      %dma_wait3A_44 = arith.constant 0 : i32
      %dma_wait3A_45 = tpu.memref_slice %arg4[%add3A, %dma_wait3A_43, %dma_wait3A_44] : memref<32x125x80xi32, #tpu.memory_space<hbm>> -> memref<1x125x80xi32, #tpu.memory_space<hbm>>
      %dma_wait3A_46 = tpu.memref_squeeze %dma_wait3A_45 : memref<1x125x80xi32, #tpu.memory_space<hbm>> -> memref<125x80xi32, #tpu.memory_space<hbm>>
      %dma_wait3A_47 = arith.constant 0 : i32
      %dma_wait3A_48 = arith.constant 0 : i32
      %dma_wait3A_49 = tpu.memref_slice %arg4[%add3A, %dma_wait3A_47, %dma_wait3A_48] : memref<32x125x80xi32, #tpu.memory_space<hbm>> -> memref<1x125x80xi32, #tpu.memory_space<hbm>>
      %dma_wait3A_50 = tpu.memref_squeeze %dma_wait3A_49 : memref<1x125x80xi32, #tpu.memory_space<hbm>> -> memref<125x80xi32, #tpu.memory_space<hbm>>
      tpu.wait_dma2 semaphore(%run_scoped3A_34 : memref<!tpu.dma_semaphore, #tpu.memory_space<semaphore_mem>>) src(%dma_wait3A_50 : memref<125x80xi32, #tpu.memory_space<hbm>>) dst(%arg8 : memref<125x80xi32, #tpu.memory_space<vmem>>)
      tpu.yield
    }) : () -> ()
    %barrier3A = arith.constant 0 : index
    tpu.barrier barrier_id(%barrier3A)
    %run_scoped3A = arith.constant 0 : i32
    %run_scoped3A_3 = arith.constant 0 : i32
    "tpu.region"() ({
      %run_scoped3A_34 = tpu.sem_alloc : memref<!tpu.dma_semaphore, #tpu.memory_space<semaphore_mem>>
      %dma_start3A_35 = arith.constant 0 : i32
      %dma_start3A_36 = tpu.memref_slice %arg7[%run_scoped3A_3, %dma_start3A_35] : memref<2x80xi32, #tpu.memory_space<vmem>> -> memref<1x80xi32, #tpu.memory_space<vmem>>
      %dma_start3A_37 = tpu.memref_squeeze %dma_start3A_36 : memref<1x80xi32, #tpu.memory_space<vmem>> -> memref<80xi32, #tpu.memory_space<vmem>>
      %dma_start3A_38 = arith.constant 0 : i32
      %dma_start3A_39 = tpu.memref_slice %arg3[%add3A, %run_scoped3A, %dma_start3A_38] : memref<32x125x80xi32, #tpu.memory_space<hbm>> -> memref<1x1x80xi32, #tpu.memory_space<hbm>>
      %dma_start3A_40 = tpu.memref_squeeze %dma_start3A_39 : memref<1x1x80xi32, #tpu.memory_space<hbm>> -> memref<80xi32, #tpu.memory_space<hbm>>
      %dma_start3A_41 = arith.constant 0 : i32
      %dma_start3A_42 = tpu.memref_slice %arg7[%run_scoped3A_3, %dma_start3A_41] : memref<2x80xi32, #tpu.memory_space<vmem>> -> memref<1x80xi32, #tpu.memory_space<vmem>>
      %dma_start3A_43 = tpu.memref_squeeze %dma_start3A_42 : memref<1x80xi32, #tpu.memory_space<vmem>> -> memref<80xi32, #tpu.memory_space<vmem>>
      %dma_start3A_44 = arith.constant 0 : i32
      %dma_start3A_45 = tpu.memref_slice %arg3[%add3A, %run_scoped3A, %dma_start3A_44] : memref<32x125x80xi32, #tpu.memory_space<hbm>> -> memref<1x1x80xi32, #tpu.memory_space<hbm>>
      %dma_start3A_46 = tpu.memref_squeeze %dma_start3A_45 : memref<1x1x80xi32, #tpu.memory_space<hbm>> -> memref<80xi32, #tpu.memory_space<hbm>>
      tpu.enqueue_dma source(%dma_start3A_46 : memref<80xi32, #tpu.memory_space<hbm>>) target(%dma_start3A_43 : memref<80xi32, #tpu.memory_space<vmem>>) target_semaphore(%run_scoped3A_34 : memref<!tpu.dma_semaphore, #tpu.memory_space<semaphore_mem>>)
      %dma_wait3A_47 = arith.constant 0 : i32
      %dma_wait3A_48 = tpu.memref_slice %arg7[%run_scoped3A_3, %dma_wait3A_47] : memref<2x80xi32, #tpu.memory_space<vmem>> -> memref<1x80xi32, #tpu.memory_space<vmem>>
      %dma_wait3A_49 = tpu.memref_squeeze %dma_wait3A_48 : memref<1x80xi32, #tpu.memory_space<vmem>> -> memref<80xi32, #tpu.memory_space<vmem>>
      %dma_wait3A_50 = arith.constant 0 : i32
      %dma_wait3A_51 = tpu.memref_slice %arg3[%add3A, %run_scoped3A, %dma_wait3A_50] : memref<32x125x80xi32, #tpu.memory_space<hbm>> -> memref<1x1x80xi32, #tpu.memory_space<hbm>>
      %dma_wait3A_52 = tpu.memref_squeeze %dma_wait3A_51 : memref<1x1x80xi32, #tpu.memory_space<hbm>> -> memref<80xi32, #tpu.memory_space<hbm>>
      %dma_wait3A_53 = arith.constant 0 : i32
      %dma_wait3A_54 = tpu.memref_slice %arg7[%run_scoped3A_3, %dma_wait3A_53] : memref<2x80xi32, #tpu.memory_space<vmem>> -> memref<1x80xi32, #tpu.memory_space<vmem>>
      %dma_wait3A_55 = tpu.memref_squeeze %dma_wait3A_54 : memref<1x80xi32, #tpu.memory_space<vmem>> -> memref<80xi32, #tpu.memory_space<vmem>>
      %dma_wait3A_56 = arith.constant 0 : i32
      %dma_wait3A_57 = tpu.memref_slice %arg3[%add3A, %run_scoped3A, %dma_wait3A_56] : memref<32x125x80xi32, #tpu.memory_space<hbm>> -> memref<1x1x80xi32, #tpu.memory_space<hbm>>
      %dma_wait3A_58 = tpu.memref_squeeze %dma_wait3A_57 : memref<1x1x80xi32, #tpu.memory_space<hbm>> -> memref<80xi32, #tpu.memory_space<hbm>>
      tpu.wait_dma2 semaphore(%run_scoped3A_34 : memref<!tpu.dma_semaphore, #tpu.memory_space<semaphore_mem>>) src(%dma_wait3A_58 : memref<80xi32, #tpu.memory_space<hbm>>) dst(%dma_wait3A_55 : memref<80xi32, #tpu.memory_space<vmem>>)
      tpu.yield
    }) : () -> ()
    %dma_start3A = arith.constant 0 : i32
    %dma_start3A_4 = arith.constant 0 : i32
    %dma_start3A_5 = arith.constant 0 : i32
    %dma_start3A_6 = arith.constant 0 : i32
    %dma_start3A_7 = tpu.memref_slice %arg9[%dma_start3A_4, %dma_start3A_5, %dma_start3A_6] : memref<2x80x128xf32, #tpu.memory_space<vmem>> -> memref<1x80x128xf32, #tpu.memory_space<vmem>>
    %dma_start3A_8 = tpu.memref_squeeze %dma_start3A_7 : memref<1x80x128xf32, #tpu.memory_space<vmem>> -> memref<80x128xf32, #tpu.memory_space<vmem>>
    %dma_start3A_9 = arith.constant 0 : i32
    %dma_start3A_10 = tpu.memref_slice %arg7[%dma_start3A, %dma_start3A_9] : memref<2x80xi32, #tpu.memory_space<vmem>> -> memref<1x80xi32, #tpu.memory_space<vmem>>
    %dma_start3A_11 = tpu.memref_squeeze %dma_start3A_10 : memref<1x80xi32, #tpu.memory_space<vmem>> -> memref<80xi32, #tpu.memory_space<vmem>>
    %dma_start3A_12 = arith.constant 0 : i32
    %dma_start3A_13 = arith.constant 0 : i32
    %dma_start3A_14 = tpu.memref_slice %arg2[%dma_start3A_12, %dma_start3A_13] : memref<10000x128xf32, #tpu.memory_space<hbm>> -> memref<10000x128xf32, #tpu.memory_space<hbm>>
    tpu.enqueue_indirect_dma source(%dma_start3A_14 : memref<10000x128xf32, #tpu.memory_space<hbm>>) target(%dma_start3A_8 : memref<80x128xf32, #tpu.memory_space<vmem>>) offsets(%dma_start3A_11 : memref<80xi32, #tpu.memory_space<vmem>>) semaphore(%arg11 : memref<!tpu.dma_semaphore, #tpu.memory_space<semaphore_mem>>)
    %scan3A = arith.constant 0 : i32
    %scan3A_15 = arith.constant 0 : i32
    %scan3A_16 = arith.constant 62 : i32
    %scan3A_17 = arith.addi %scan3A_15, %scan3A_16 : i32
    %scan3A_18 = arith.constant 1 : i32
    scf.for %scan3A_34 = %scan3A_15 to %scan3A_17 step %scan3A_18  : i32 {
      %mul3A_35 = arith.constant 2 : i32
      %mul3A_36 = arith.muli %mul3A_35, %scan3A_34 : i32
      %add3A_37 = arith.constant 1 : i32
      %add3A_38 = arith.addi %mul3A_36, %add3A_37 : i32
      %run_scoped3A_39 = arith.constant 1 : i32
      "tpu.region"() ({
        %run_scoped3A_80 = tpu.sem_alloc : memref<!tpu.dma_semaphore, #tpu.memory_space<semaphore_mem>>
        %dma_start3A_81 = arith.constant 0 : i32
        %dma_start3A_82 = tpu.memref_slice %arg7[%run_scoped3A_39, %dma_start3A_81] : memref<2x80xi32, #tpu.memory_space<vmem>> -> memref<1x80xi32, #tpu.memory_space<vmem>>
        %dma_start3A_83 = tpu.memref_squeeze %dma_start3A_82 : memref<1x80xi32, #tpu.memory_space<vmem>> -> memref<80xi32, #tpu.memory_space<vmem>>
        %dma_start3A_84 = arith.constant 0 : i32
        %dma_start3A_85 = tpu.memref_slice %arg3[%add3A, %add3A_38, %dma_start3A_84] : memref<32x125x80xi32, #tpu.memory_space<hbm>> -> memref<1x1x80xi32, #tpu.memory_space<hbm>>
        %dma_start3A_86 = tpu.memref_squeeze %dma_start3A_85 : memref<1x1x80xi32, #tpu.memory_space<hbm>> -> memref<80xi32, #tpu.memory_space<hbm>>
        %dma_start3A_87 = arith.constant 0 : i32
        %dma_start3A_88 = tpu.memref_slice %arg7[%run_scoped3A_39, %dma_start3A_87] : memref<2x80xi32, #tpu.memory_space<vmem>> -> memref<1x80xi32, #tpu.memory_space<vmem>>
        %dma_start3A_89 = tpu.memref_squeeze %dma_start3A_88 : memref<1x80xi32, #tpu.memory_space<vmem>> -> memref<80xi32, #tpu.memory_space<vmem>>
        %dma_start3A_90 = arith.constant 0 : i32
        %dma_start3A_91 = tpu.memref_slice %arg3[%add3A, %add3A_38, %dma_start3A_90] : memref<32x125x80xi32, #tpu.memory_space<hbm>> -> memref<1x1x80xi32, #tpu.memory_space<hbm>>
        %dma_start3A_92 = tpu.memref_squeeze %dma_start3A_91 : memref<1x1x80xi32, #tpu.memory_space<hbm>> -> memref<80xi32, #tpu.memory_space<hbm>>
        tpu.enqueue_dma source(%dma_start3A_92 : memref<80xi32, #tpu.memory_space<hbm>>) target(%dma_start3A_89 : memref<80xi32, #tpu.memory_space<vmem>>) target_semaphore(%run_scoped3A_80 : memref<!tpu.dma_semaphore, #tpu.memory_space<semaphore_mem>>)
        %dma_wait3A_93 = arith.constant 0 : i32
        %dma_wait3A_94 = tpu.memref_slice %arg7[%run_scoped3A_39, %dma_wait3A_93] : memref<2x80xi32, #tpu.memory_space<vmem>> -> memref<1x80xi32, #tpu.memory_space<vmem>>
        %dma_wait3A_95 = tpu.memref_squeeze %dma_wait3A_94 : memref<1x80xi32, #tpu.memory_space<vmem>> -> memref<80xi32, #tpu.memory_space<vmem>>
        %dma_wait3A_96 = arith.constant 0 : i32
        %dma_wait3A_97 = tpu.memref_slice %arg3[%add3A, %add3A_38, %dma_wait3A_96] : memref<32x125x80xi32, #tpu.memory_space<hbm>> -> memref<1x1x80xi32, #tpu.memory_space<hbm>>
        %dma_wait3A_98 = tpu.memref_squeeze %dma_wait3A_97 : memref<1x1x80xi32, #tpu.memory_space<hbm>> -> memref<80xi32, #tpu.memory_space<hbm>>
        %dma_wait3A_99 = arith.constant 0 : i32
        %dma_wait3A_100 = tpu.memref_slice %arg7[%run_scoped3A_39, %dma_wait3A_99] : memref<2x80xi32, #tpu.memory_space<vmem>> -> memref<1x80xi32, #tpu.memory_space<vmem>>
        %dma_wait3A_101 = tpu.memref_squeeze %dma_wait3A_100 : memref<1x80xi32, #tpu.memory_space<vmem>> -> memref<80xi32, #tpu.memory_space<vmem>>
        %dma_wait3A_102 = arith.constant 0 : i32
        %dma_wait3A_103 = tpu.memref_slice %arg3[%add3A, %add3A_38, %dma_wait3A_102] : memref<32x125x80xi32, #tpu.memory_space<hbm>> -> memref<1x1x80xi32, #tpu.memory_space<hbm>>
        %dma_wait3A_104 = tpu.memref_squeeze %dma_wait3A_103 : memref<1x1x80xi32, #tpu.memory_space<hbm>> -> memref<80xi32, #tpu.memory_space<hbm>>
        tpu.wait_dma2 semaphore(%run_scoped3A_80 : memref<!tpu.dma_semaphore, #tpu.memory_space<semaphore_mem>>) src(%dma_wait3A_104 : memref<80xi32, #tpu.memory_space<hbm>>) dst(%dma_wait3A_101 : memref<80xi32, #tpu.memory_space<vmem>>)
        tpu.yield
      }) : () -> ()
      %dma_start3A_40 = arith.constant 1 : i32
      %dma_start3A_41 = arith.constant 1 : i32
      %dma_start3A_42 = arith.constant 0 : i32
      %dma_start3A_43 = arith.constant 0 : i32
      %dma_start3A_44 = tpu.memref_slice %arg9[%dma_start3A_41, %dma_start3A_42, %dma_start3A_43] : memref<2x80x128xf32, #tpu.memory_space<vmem>> -> memref<1x80x128xf32, #tpu.memory_space<vmem>>
      %dma_start3A_45 = tpu.memref_squeeze %dma_start3A_44 : memref<1x80x128xf32, #tpu.memory_space<vmem>> -> memref<80x128xf32, #tpu.memory_space<vmem>>
      %dma_start3A_46 = arith.constant 0 : i32
      %dma_start3A_47 = tpu.memref_slice %arg7[%dma_start3A_40, %dma_start3A_46] : memref<2x80xi32, #tpu.memory_space<vmem>> -> memref<1x80xi32, #tpu.memory_space<vmem>>
      %dma_start3A_48 = tpu.memref_squeeze %dma_start3A_47 : memref<1x80xi32, #tpu.memory_space<vmem>> -> memref<80xi32, #tpu.memory_space<vmem>>
      %dma_start3A_49 = arith.constant 0 : i32
      %dma_start3A_50 = arith.constant 0 : i32
      %dma_start3A_51 = tpu.memref_slice %arg2[%dma_start3A_49, %dma_start3A_50] : memref<10000x128xf32, #tpu.memory_space<hbm>> -> memref<10000x128xf32, #tpu.memory_space<hbm>>
      tpu.enqueue_indirect_dma source(%dma_start3A_51 : memref<10000x128xf32, #tpu.memory_space<hbm>>) target(%dma_start3A_45 : memref<80x128xf32, #tpu.memory_space<vmem>>) offsets(%dma_start3A_48 : memref<80xi32, #tpu.memory_space<vmem>>) semaphore(%arg12 : memref<!tpu.dma_semaphore, #tpu.memory_space<semaphore_mem>>)
      %dma_wait3A_52 = arith.constant 0 : i32
      %dma_wait3A_53 = arith.constant 0 : i32
      %dma_wait3A_54 = arith.constant 0 : i32
      %dma_wait3A_55 = arith.constant 0 : i32
      %dma_wait3A_56 = tpu.memref_slice %arg9[%dma_wait3A_53, %dma_wait3A_54, %dma_wait3A_55] : memref<2x80x128xf32, #tpu.memory_space<vmem>> -> memref<1x80x128xf32, #tpu.memory_space<vmem>>
      %dma_wait3A_57 = tpu.memref_squeeze %dma_wait3A_56 : memref<1x80x128xf32, #tpu.memory_space<vmem>> -> memref<80x128xf32, #tpu.memory_space<vmem>>
      %dma_wait3A_58 = arith.constant 0 : i32
      %dma_wait3A_59 = tpu.memref_slice %arg7[%dma_wait3A_52, %dma_wait3A_58] : memref<2x80xi32, #tpu.memory_space<vmem>> -> memref<1x80xi32, #tpu.memory_space<vmem>>
      %dma_wait3A_60 = tpu.memref_squeeze %dma_wait3A_59 : memref<1x80xi32, #tpu.memory_space<vmem>> -> memref<80xi32, #tpu.memory_space<vmem>>
      %dma_wait3A_61 = arith.constant 0 : i32
      %dma_wait3A_62 = arith.constant 0 : i32
      %dma_wait3A_63 = tpu.memref_slice %arg2[%dma_wait3A_61, %dma_wait3A_62] : memref<10000x128xf32, #tpu.memory_space<hbm>> -> memref<10000x128xf32, #tpu.memory_space<hbm>>
      tpu.wait_indirect_dma semaphore(%arg11 : memref<!tpu.dma_semaphore, #tpu.memory_space<semaphore_mem>>) src(%dma_wait3A_63 : memref<10000x128xf32, #tpu.memory_space<hbm>>) dst(%dma_wait3A_57 : memref<80x128xf32, #tpu.memory_space<vmem>>)
      %add3A_64 = arith.constant 2 : i32
      %add3A_65 = arith.addi %mul3A_36, %add3A_64 : i32
      %lt3A = arith.constant 125 : i32
      %lt3A_66 = arith.cmpi slt, %add3A_65, %lt3A : i32
      %convert_element_type3A = arith.extui %lt3A_66 : i1 to i32
      %cond3A = arith.constant 0 : i32
      %cond3A_67 = arith.cmpi ne, %convert_element_type3A, %cond3A : i32
      scf.if %cond3A_67 {
        %add3A_80 = arith.constant 2 : i32
        %add3A_81 = arith.addi %mul3A_36, %add3A_80 : i32
        %run_scoped3A_82 = arith.constant 0 : i32
        "tpu.region"() ({
          %run_scoped3A_95 = tpu.sem_alloc : memref<!tpu.dma_semaphore, #tpu.memory_space<semaphore_mem>>
          %dma_start3A_96 = arith.constant 0 : i32
          %dma_start3A_97 = tpu.memref_slice %arg7[%run_scoped3A_82, %dma_start3A_96] : memref<2x80xi32, #tpu.memory_space<vmem>> -> memref<1x80xi32, #tpu.memory_space<vmem>>
          %dma_start3A_98 = tpu.memref_squeeze %dma_start3A_97 : memref<1x80xi32, #tpu.memory_space<vmem>> -> memref<80xi32, #tpu.memory_space<vmem>>
          %dma_start3A_99 = arith.constant 0 : i32
          %dma_start3A_100 = tpu.memref_slice %arg3[%add3A, %add3A_81, %dma_start3A_99] : memref<32x125x80xi32, #tpu.memory_space<hbm>> -> memref<1x1x80xi32, #tpu.memory_space<hbm>>
          %dma_start3A_101 = tpu.memref_squeeze %dma_start3A_100 : memref<1x1x80xi32, #tpu.memory_space<hbm>> -> memref<80xi32, #tpu.memory_space<hbm>>
          %dma_start3A_102 = arith.constant 0 : i32
          %dma_start3A_103 = tpu.memref_slice %arg7[%run_scoped3A_82, %dma_start3A_102] : memref<2x80xi32, #tpu.memory_space<vmem>> -> memref<1x80xi32, #tpu.memory_space<vmem>>
          %dma_start3A_104 = tpu.memref_squeeze %dma_start3A_103 : memref<1x80xi32, #tpu.memory_space<vmem>> -> memref<80xi32, #tpu.memory_space<vmem>>
          %dma_start3A_105 = arith.constant 0 : i32
          %dma_start3A_106 = tpu.memref_slice %arg3[%add3A, %add3A_81, %dma_start3A_105] : memref<32x125x80xi32, #tpu.memory_space<hbm>> -> memref<1x1x80xi32, #tpu.memory_space<hbm>>
          %dma_start3A_107 = tpu.memref_squeeze %dma_start3A_106 : memref<1x1x80xi32, #tpu.memory_space<hbm>> -> memref<80xi32, #tpu.memory_space<hbm>>
          tpu.enqueue_dma source(%dma_start3A_107 : memref<80xi32, #tpu.memory_space<hbm>>) target(%dma_start3A_104 : memref<80xi32, #tpu.memory_space<vmem>>) target_semaphore(%run_scoped3A_95 : memref<!tpu.dma_semaphore, #tpu.memory_space<semaphore_mem>>)
          %dma_wait3A_108 = arith.constant 0 : i32
          %dma_wait3A_109 = tpu.memref_slice %arg7[%run_scoped3A_82, %dma_wait3A_108] : memref<2x80xi32, #tpu.memory_space<vmem>> -> memref<1x80xi32, #tpu.memory_space<vmem>>
          %dma_wait3A_110 = tpu.memref_squeeze %dma_wait3A_109 : memref<1x80xi32, #tpu.memory_space<vmem>> -> memref<80xi32, #tpu.memory_space<vmem>>
          %dma_wait3A_111 = arith.constant 0 : i32
          %dma_wait3A_112 = tpu.memref_slice %arg3[%add3A, %add3A_81, %dma_wait3A_111] : memref<32x125x80xi32, #tpu.memory_space<hbm>> -> memref<1x1x80xi32, #tpu.memory_space<hbm>>
          %dma_wait3A_113 = tpu.memref_squeeze %dma_wait3A_112 : memref<1x1x80xi32, #tpu.memory_space<hbm>> -> memref<80xi32, #tpu.memory_space<hbm>>
          %dma_wait3A_114 = arith.constant 0 : i32
          %dma_wait3A_115 = tpu.memref_slice %arg7[%run_scoped3A_82, %dma_wait3A_114] : memref<2x80xi32, #tpu.memory_space<vmem>> -> memref<1x80xi32, #tpu.memory_space<vmem>>
          %dma_wait3A_116 = tpu.memref_squeeze %dma_wait3A_115 : memref<1x80xi32, #tpu.memory_space<vmem>> -> memref<80xi32, #tpu.memory_space<vmem>>
          %dma_wait3A_117 = arith.constant 0 : i32
          %dma_wait3A_118 = tpu.memref_slice %arg3[%add3A, %add3A_81, %dma_wait3A_117] : memref<32x125x80xi32, #tpu.memory_space<hbm>> -> memref<1x1x80xi32, #tpu.memory_space<hbm>>
          %dma_wait3A_119 = tpu.memref_squeeze %dma_wait3A_118 : memref<1x1x80xi32, #tpu.memory_space<hbm>> -> memref<80xi32, #tpu.memory_space<hbm>>
          tpu.wait_dma2 semaphore(%run_scoped3A_95 : memref<!tpu.dma_semaphore, #tpu.memory_space<semaphore_mem>>) src(%dma_wait3A_119 : memref<80xi32, #tpu.memory_space<hbm>>) dst(%dma_wait3A_116 : memref<80xi32, #tpu.memory_space<vmem>>)
          tpu.yield
        }) : () -> ()
        %dma_start3A_83 = arith.constant 0 : i32
        %dma_start3A_84 = arith.constant 0 : i32
        %dma_start3A_85 = arith.constant 0 : i32
        %dma_start3A_86 = arith.constant 0 : i32
        %dma_start3A_87 = tpu.memref_slice %arg9[%dma_start3A_84, %dma_start3A_85, %dma_start3A_86] : memref<2x80x128xf32, #tpu.memory_space<vmem>> -> memref<1x80x128xf32, #tpu.memory_space<vmem>>
        %dma_start3A_88 = tpu.memref_squeeze %dma_start3A_87 : memref<1x80x128xf32, #tpu.memory_space<vmem>> -> memref<80x128xf32, #tpu.memory_space<vmem>>
        %dma_start3A_89 = arith.constant 0 : i32
        %dma_start3A_90 = tpu.memref_slice %arg7[%dma_start3A_83, %dma_start3A_89] : memref<2x80xi32, #tpu.memory_space<vmem>> -> memref<1x80xi32, #tpu.memory_space<vmem>>
        %dma_start3A_91 = tpu.memref_squeeze %dma_start3A_90 : memref<1x80xi32, #tpu.memory_space<vmem>> -> memref<80xi32, #tpu.memory_space<vmem>>
        %dma_start3A_92 = arith.constant 0 : i32
        %dma_start3A_93 = arith.constant 0 : i32
        %dma_start3A_94 = tpu.memref_slice %arg2[%dma_start3A_92, %dma_start3A_93] : memref<10000x128xf32, #tpu.memory_space<hbm>> -> memref<10000x128xf32, #tpu.memory_space<hbm>>
        tpu.enqueue_indirect_dma source(%dma_start3A_94 : memref<10000x128xf32, #tpu.memory_space<hbm>>) target(%dma_start3A_88 : memref<80x128xf32, #tpu.memory_space<vmem>>) offsets(%dma_start3A_91 : memref<80xi32, #tpu.memory_space<vmem>>) semaphore(%arg11 : memref<!tpu.dma_semaphore, #tpu.memory_space<semaphore_mem>>)
      } else {
      }
      %dma_wait3A_68 = arith.constant 1 : i32
      %dma_wait3A_69 = arith.constant 1 : i32
      %dma_wait3A_70 = arith.constant 0 : i32
      %dma_wait3A_71 = arith.constant 0 : i32
      %dma_wait3A_72 = tpu.memref_slice %arg9[%dma_wait3A_69, %dma_wait3A_70, %dma_wait3A_71] : memref<2x80x128xf32, #tpu.memory_space<vmem>> -> memref<1x80x128xf32, #tpu.memory_space<vmem>>
      %dma_wait3A_73 = tpu.memref_squeeze %dma_wait3A_72 : memref<1x80x128xf32, #tpu.memory_space<vmem>> -> memref<80x128xf32, #tpu.memory_space<vmem>>
      %dma_wait3A_74 = arith.constant 0 : i32
      %dma_wait3A_75 = tpu.memref_slice %arg7[%dma_wait3A_68, %dma_wait3A_74] : memref<2x80xi32, #tpu.memory_space<vmem>> -> memref<1x80xi32, #tpu.memory_space<vmem>>
      %dma_wait3A_76 = tpu.memref_squeeze %dma_wait3A_75 : memref<1x80xi32, #tpu.memory_space<vmem>> -> memref<80xi32, #tpu.memory_space<vmem>>
      %dma_wait3A_77 = arith.constant 0 : i32
      %dma_wait3A_78 = arith.constant 0 : i32
      %dma_wait3A_79 = tpu.memref_slice %arg2[%dma_wait3A_77, %dma_wait3A_78] : memref<10000x128xf32, #tpu.memory_space<hbm>> -> memref<10000x128xf32, #tpu.memory_space<hbm>>
      tpu.wait_indirect_dma semaphore(%arg12 : memref<!tpu.dma_semaphore, #tpu.memory_space<semaphore_mem>>) src(%dma_wait3A_79 : memref<10000x128xf32, #tpu.memory_space<hbm>>) dst(%dma_wait3A_73 : memref<80x128xf32, #tpu.memory_space<vmem>>)
    }
    %scan3A_19 = arith.constant 62 : i32
    %dma_wait3A = arith.constant 0 : i32
    %dma_wait3A_20 = arith.constant 0 : i32
    %dma_wait3A_21 = arith.constant 0 : i32
    %dma_wait3A_22 = arith.constant 0 : i32
    %dma_wait3A_23 = tpu.memref_slice %arg9[%dma_wait3A_20, %dma_wait3A_21, %dma_wait3A_22] : memref<2x80x128xf32, #tpu.memory_space<vmem>> -> memref<1x80x128xf32, #tpu.memory_space<vmem>>
    %dma_wait3A_24 = tpu.memref_squeeze %dma_wait3A_23 : memref<1x80x128xf32, #tpu.memory_space<vmem>> -> memref<80x128xf32, #tpu.memory_space<vmem>>
    %dma_wait3A_25 = arith.constant 0 : i32
    %dma_wait3A_26 = tpu.memref_slice %arg7[%dma_wait3A, %dma_wait3A_25] : memref<2x80xi32, #tpu.memory_space<vmem>> -> memref<1x80xi32, #tpu.memory_space<vmem>>
    %dma_wait3A_27 = tpu.memref_squeeze %dma_wait3A_26 : memref<1x80xi32, #tpu.memory_space<vmem>> -> memref<80xi32, #tpu.memory_space<vmem>>
    %dma_wait3A_28 = arith.constant 0 : i32
    %dma_wait3A_29 = arith.constant 0 : i32
    %dma_wait3A_30 = tpu.memref_slice %arg2[%dma_wait3A_28, %dma_wait3A_29] : memref<10000x128xf32, #tpu.memory_space<hbm>> -> memref<10000x128xf32, #tpu.memory_space<hbm>>
    tpu.wait_indirect_dma semaphore(%arg11 : memref<!tpu.dma_semaphore, #tpu.memory_space<semaphore_mem>>) src(%dma_wait3A_30 : memref<10000x128xf32, #tpu.memory_space<hbm>>) dst(%dma_wait3A_24 : memref<80x128xf32, #tpu.memory_space<vmem>>)
    %run_scoped3A_31 = arith.constant 0 : i32
    %run_scoped3A_32 = arith.constant 124 : i32
    "tpu.region"() ({
      %run_scoped3A_34 = tpu.sem_alloc : memref<!tpu.dma_semaphore, #tpu.memory_space<semaphore_mem>>
      %dma_start3A_35 = arith.constant 0 : i32
      %dma_start3A_36 = arith.constant 0 : i32
      %dma_start3A_37 = tpu.memref_slice %arg9[%run_scoped3A_31, %dma_start3A_35, %dma_start3A_36] : memref<2x80x128xf32, #tpu.memory_space<vmem>> -> memref<1x80x128xf32, #tpu.memory_space<vmem>>
      %dma_start3A_38 = tpu.memref_squeeze %dma_start3A_37 : memref<1x80x128xf32, #tpu.memory_space<vmem>> -> memref<80x128xf32, #tpu.memory_space<vmem>>
      %dma_start3A_39 = arith.constant 0 : i32
      %dma_start3A_40 = tpu.memref_slice %arg8[%run_scoped3A_32, %dma_start3A_39] : memref<125x80xi32, #tpu.memory_space<vmem>> -> memref<1x80xi32, #tpu.memory_space<vmem>>
      %dma_start3A_41 = tpu.memref_squeeze %dma_start3A_40 : memref<1x80xi32, #tpu.memory_space<vmem>> -> memref<80xi32, #tpu.memory_space<vmem>>
      %dma_start3A_42 = arith.constant 0 : i32
      %dma_start3A_43 = arith.constant 0 : i32
      %dma_start3A_44 = tpu.memref_slice %arg10[%dma_start3A_42, %dma_start3A_43] : memref<10240x128xf32, #tpu.memory_space<vmem_shared>> -> memref<10240x128xf32, #tpu.memory_space<vmem_shared>>
      tpu.enqueue_indirect_dma source(%dma_start3A_38 : memref<80x128xf32, #tpu.memory_space<vmem>>) target(%dma_start3A_44 : memref<10240x128xf32, #tpu.memory_space<vmem_shared>>) offsets(%dma_start3A_41 : memref<80xi32, #tpu.memory_space<vmem>>) semaphore(%run_scoped3A_34 : memref<!tpu.dma_semaphore, #tpu.memory_space<semaphore_mem>>) {add = true}
      %dma_wait3A_45 = arith.constant 0 : i32
      %dma_wait3A_46 = arith.constant 0 : i32
      %dma_wait3A_47 = tpu.memref_slice %arg9[%run_scoped3A_31, %dma_wait3A_45, %dma_wait3A_46] : memref<2x80x128xf32, #tpu.memory_space<vmem>> -> memref<1x80x128xf32, #tpu.memory_space<vmem>>
      %dma_wait3A_48 = tpu.memref_squeeze %dma_wait3A_47 : memref<1x80x128xf32, #tpu.memory_space<vmem>> -> memref<80x128xf32, #tpu.memory_space<vmem>>
      %dma_wait3A_49 = arith.constant 0 : i32
      %dma_wait3A_50 = tpu.memref_slice %arg8[%run_scoped3A_32, %dma_wait3A_49] : memref<125x80xi32, #tpu.memory_space<vmem>> -> memref<1x80xi32, #tpu.memory_space<vmem>>
      %dma_wait3A_51 = tpu.memref_squeeze %dma_wait3A_50 : memref<1x80xi32, #tpu.memory_space<vmem>> -> memref<80xi32, #tpu.memory_space<vmem>>
      %dma_wait3A_52 = arith.constant 0 : i32
      %dma_wait3A_53 = arith.constant 0 : i32
      %dma_wait3A_54 = tpu.memref_slice %arg10[%dma_wait3A_52, %dma_wait3A_53] : memref<10240x128xf32, #tpu.memory_space<vmem_shared>> -> memref<10240x128xf32, #tpu.memory_space<vmem_shared>>
      tpu.wait_indirect_dma semaphore(%run_scoped3A_34 : memref<!tpu.dma_semaphore, #tpu.memory_space<semaphore_mem>>) src(%dma_wait3A_48 : memref<80x128xf32, #tpu.memory_space<vmem>>) dst(%dma_wait3A_54 : memref<10240x128xf32, #tpu.memory_space<vmem_shared>>)
      tpu.yield
    }) : () -> ()
    %barrier3A_33 = arith.constant 0 : index
    tpu.barrier barrier_id(%barrier3A_33)
    "tpu.region"() ({
      %run_scoped3A_34 = tpu.sem_alloc : memref<!tpu.dma_semaphore, #tpu.memory_space<semaphore_mem>>
      %dma_start3A_35 = arith.constant 0 : i32
      %dma_start3A_36 = tpu.memref_slice %arg6[%arg0, %mul3A_2, %dma_start3A_35] : memref<2x10240x128xf32, #tpu.memory_space<hbm>> -> memref<1x640x128xf32, #tpu.memory_space<hbm>>
      %dma_start3A_37 = tpu.memref_squeeze %dma_start3A_36 : memref<1x640x128xf32, #tpu.memory_space<hbm>> -> memref<640x128xf32, #tpu.memory_space<hbm>>
      %dma_start3A_38 = arith.constant 0 : i32
      %dma_start3A_39 = tpu.memref_slice %arg10[%mul3A_2, %dma_start3A_38] : memref<10240x128xf32, #tpu.memory_space<vmem_shared>> -> memref<640x128xf32, #tpu.memory_space<vmem_shared>>
      tpu.enqueue_dma source(%dma_start3A_39 : memref<640x128xf32, #tpu.memory_space<vmem_shared>>) target(%dma_start3A_37 : memref<640x128xf32, #tpu.memory_space<hbm>>) target_semaphore(%run_scoped3A_34 : memref<!tpu.dma_semaphore, #tpu.memory_space<semaphore_mem>>)
      %dma_wait3A_40 = arith.constant 0 : i32
      %dma_wait3A_41 = tpu.memref_slice %arg6[%arg0, %mul3A_2, %dma_wait3A_40] : memref<2x10240x128xf32, #tpu.memory_space<hbm>> -> memref<1x640x128xf32, #tpu.memory_space<hbm>>
      %dma_wait3A_42 = tpu.memref_squeeze %dma_wait3A_41 : memref<1x640x128xf32, #tpu.memory_space<hbm>> -> memref<640x128xf32, #tpu.memory_space<hbm>>
      %dma_wait3A_43 = arith.constant 0 : i32
      %dma_wait3A_44 = tpu.memref_slice %arg10[%mul3A_2, %dma_wait3A_43] : memref<10240x128xf32, #tpu.memory_space<vmem_shared>> -> memref<640x128xf32, #tpu.memory_space<vmem_shared>>
      tpu.wait_dma2 semaphore(%run_scoped3A_34 : memref<!tpu.dma_semaphore, #tpu.memory_space<semaphore_mem>>) src(%dma_wait3A_44 : memref<640x128xf32, #tpu.memory_space<vmem_shared>>) dst(%dma_wait3A_42 : memref<640x128xf32, #tpu.memory_space<hbm>>)
      tpu.yield
    }) : () -> ()
    return
  }
}

#map = affine_map<(d0, d1) -> (0, 0)>
#map1 = affine_map<(d0, d1) -> (0, 0, 0)>
module attributes {stable_mosaic.version = 14 : i64} {
  func.func @agg_kernel(%arg0: i32, %arg1: i32, %arg2: memref<10000x128xf32, #tpu.memory_space<hbm>>, %arg3: memref<32x125x80xi32, #tpu.memory_space<hbm>>, %arg4: memref<32x125x80xi32, #tpu.memory_space<hbm>>, %arg5: memref<640x128xf32, #tpu.memory_space<hbm>>, %arg6: memref<2x10240x128xf32, #tpu.memory_space<hbm>>, %arg7: memref<2x80xi32, #tpu.memory_space<vmem>>, %arg8: memref<125x80xi32, #tpu.memory_space<vmem>>, %arg9: memref<2x80x128xf32, #tpu.memory_space<vmem>>, %arg10: memref<10240x128xf32, #tpu.memory_space<vmem_shared>>, %arg11: memref<!tpu.dma_semaphore, #tpu.memory_space<semaphore_mem>>, %arg12: memref<!tpu.dma_semaphore, #tpu.memory_space<semaphore_mem>>) attributes {dimension_semantics = [#tpu.dimension_semantics<core_parallel>, #tpu.dimension_semantics<subcore_parallel>], iteration_bounds = array<i64: 2, 16>, scalar_prefetch = 0 : i64, scratch_operands = 6 : i64, tpu.core_type = #tpu.core_type<sc_vector_subcore>, window_params = [{transform_indices = #map}, {transform_indices = #map1}, {transform_indices = #map1}, {transform_indices = #map}, {transform_indices = #map1}]} {
    %mul3A = arith.constant 16 : i32
    %mul3A_0 = arith.muli %arg0, %mul3A : i32
    %add3A = arith.addi %mul3A_0, %arg1 : i32
    %mul3A_1 = arith.constant 640 : i32
    %mul3A_2 = arith.muli %arg1, %mul3A_1 : i32
    "tpu.region"() ({
      %run_scoped3A_34 = tpu.sem_alloc : memref<!tpu.dma_semaphore, #tpu.memory_space<semaphore_mem>>
      %dma_start3A_35 = arith.constant 0 : i32
      %dma_start3A_36 = tpu.memref_slice %arg10[%mul3A_2, %dma_start3A_35] : memref<10240x128xf32, #tpu.memory_space<vmem_shared>> -> memref<640x128xf32, #tpu.memory_space<vmem_shared>>
      tpu.enqueue_dma source(%arg5 : memref<640x128xf32, #tpu.memory_space<hbm>>) target(%dma_start3A_36 : memref<640x128xf32, #tpu.memory_space<vmem_shared>>) target_semaphore(%run_scoped3A_34 : memref<!tpu.dma_semaphore, #tpu.memory_space<semaphore_mem>>)
      %dma_wait3A_37 = arith.constant 0 : i32
      %dma_wait3A_38 = tpu.memref_slice %arg10[%mul3A_2, %dma_wait3A_37] : memref<10240x128xf32, #tpu.memory_space<vmem_shared>> -> memref<640x128xf32, #tpu.memory_space<vmem_shared>>
      tpu.wait_dma2 semaphore(%run_scoped3A_34 : memref<!tpu.dma_semaphore, #tpu.memory_space<semaphore_mem>>) src(%arg5 : memref<640x128xf32, #tpu.memory_space<hbm>>) dst(%dma_wait3A_38 : memref<640x128xf32, #tpu.memory_space<vmem_shared>>)
      tpu.yield
    }) : () -> ()
    "tpu.region"() ({
      %run_scoped3A_34 = tpu.sem_alloc : memref<!tpu.dma_semaphore, #tpu.memory_space<semaphore_mem>>
      %dma_start3A_35 = arith.constant 0 : i32
      %dma_start3A_36 = arith.constant 0 : i32
      %dma_start3A_37 = tpu.memref_slice %arg4[%add3A, %dma_start3A_35, %dma_start3A_36] : memref<32x125x80xi32, #tpu.memory_space<hbm>> -> memref<1x125x80xi32, #tpu.memory_space<hbm>>
      %dma_start3A_38 = tpu.memref_squeeze %dma_start3A_37 : memref<1x125x80xi32, #tpu.memory_space<hbm>> -> memref<125x80xi32, #tpu.memory_space<hbm>>
      %dma_start3A_39 = arith.constant 0 : i32
      %dma_start3A_40 = arith.constant 0 : i32
      %dma_start3A_41 = tpu.memref_slice %arg4[%add3A, %dma_start3A_39, %dma_start3A_40] : memref<32x125x80xi32, #tpu.memory_space<hbm>> -> memref<1x125x80xi32, #tpu.memory_space<hbm>>
      %dma_start3A_42 = tpu.memref_squeeze %dma_start3A_41 : memref<1x125x80xi32, #tpu.memory_space<hbm>> -> memref<125x80xi32, #tpu.memory_space<hbm>>
      tpu.enqueue_dma source(%dma_start3A_42 : memref<125x80xi32, #tpu.memory_space<hbm>>) target(%arg8 : memref<125x80xi32, #tpu.memory_space<vmem>>) target_semaphore(%run_scoped3A_34 : memref<!tpu.dma_semaphore, #tpu.memory_space<semaphore_mem>>)
      %dma_wait3A_43 = arith.constant 0 : i32
      %dma_wait3A_44 = arith.constant 0 : i32
      %dma_wait3A_45 = tpu.memref_slice %arg4[%add3A, %dma_wait3A_43, %dma_wait3A_44] : memref<32x125x80xi32, #tpu.memory_space<hbm>> -> memref<1x125x80xi32, #tpu.memory_space<hbm>>
      %dma_wait3A_46 = tpu.memref_squeeze %dma_wait3A_45 : memref<1x125x80xi32, #tpu.memory_space<hbm>> -> memref<125x80xi32, #tpu.memory_space<hbm>>
      %dma_wait3A_47 = arith.constant 0 : i32
      %dma_wait3A_48 = arith.constant 0 : i32
      %dma_wait3A_49 = tpu.memref_slice %arg4[%add3A, %dma_wait3A_47, %dma_wait3A_48] : memref<32x125x80xi32, #tpu.memory_space<hbm>> -> memref<1x125x80xi32, #tpu.memory_space<hbm>>
      %dma_wait3A_50 = tpu.memref_squeeze %dma_wait3A_49 : memref<1x125x80xi32, #tpu.memory_space<hbm>> -> memref<125x80xi32, #tpu.memory_space<hbm>>
      tpu.wait_dma2 semaphore(%run_scoped3A_34 : memref<!tpu.dma_semaphore, #tpu.memory_space<semaphore_mem>>) src(%dma_wait3A_50 : memref<125x80xi32, #tpu.memory_space<hbm>>) dst(%arg8 : memref<125x80xi32, #tpu.memory_space<vmem>>)
      tpu.yield
    }) : () -> ()
    %barrier3A = arith.constant 0 : index
    tpu.barrier barrier_id(%barrier3A)
    %run_scoped3A = arith.constant 0 : i32
    %run_scoped3A_3 = arith.constant 0 : i32
    "tpu.region"() ({
      %run_scoped3A_34 = tpu.sem_alloc : memref<!tpu.dma_semaphore, #tpu.memory_space<semaphore_mem>>
      %dma_start3A_35 = arith.constant 0 : i32
      %dma_start3A_36 = tpu.memref_slice %arg7[%run_scoped3A_3, %dma_start3A_35] : memref<2x80xi32, #tpu.memory_space<vmem>> -> memref<1x80xi32, #tpu.memory_space<vmem>>
      %dma_start3A_37 = tpu.memref_squeeze %dma_start3A_36 : memref<1x80xi32, #tpu.memory_space<vmem>> -> memref<80xi32, #tpu.memory_space<vmem>>
      %dma_start3A_38 = arith.constant 0 : i32
      %dma_start3A_39 = tpu.memref_slice %arg3[%add3A, %run_scoped3A, %dma_start3A_38] : memref<32x125x80xi32, #tpu.memory_space<hbm>> -> memref<1x1x80xi32, #tpu.memory_space<hbm>>
      %dma_start3A_40 = tpu.memref_squeeze %dma_start3A_39 : memref<1x1x80xi32, #tpu.memory_space<hbm>> -> memref<80xi32, #tpu.memory_space<hbm>>
      %dma_start3A_41 = arith.constant 0 : i32
      %dma_start3A_42 = tpu.memref_slice %arg7[%run_scoped3A_3, %dma_start3A_41] : memref<2x80xi32, #tpu.memory_space<vmem>> -> memref<1x80xi32, #tpu.memory_space<vmem>>
      %dma_start3A_43 = tpu.memref_squeeze %dma_start3A_42 : memref<1x80xi32, #tpu.memory_space<vmem>> -> memref<80xi32, #tpu.memory_space<vmem>>
      %dma_start3A_44 = arith.constant 0 : i32
      %dma_start3A_45 = tpu.memref_slice %arg3[%add3A, %run_scoped3A, %dma_start3A_44] : memref<32x125x80xi32, #tpu.memory_space<hbm>> -> memref<1x1x80xi32, #tpu.memory_space<hbm>>
      %dma_start3A_46 = tpu.memref_squeeze %dma_start3A_45 : memref<1x1x80xi32, #tpu.memory_space<hbm>> -> memref<80xi32, #tpu.memory_space<hbm>>
      tpu.enqueue_dma source(%dma_start3A_46 : memref<80xi32, #tpu.memory_space<hbm>>) target(%dma_start3A_43 : memref<80xi32, #tpu.memory_space<vmem>>) target_semaphore(%run_scoped3A_34 : memref<!tpu.dma_semaphore, #tpu.memory_space<semaphore_mem>>)
      %dma_wait3A_47 = arith.constant 0 : i32
      %dma_wait3A_48 = tpu.memref_slice %arg7[%run_scoped3A_3, %dma_wait3A_47] : memref<2x80xi32, #tpu.memory_space<vmem>> -> memref<1x80xi32, #tpu.memory_space<vmem>>
      %dma_wait3A_49 = tpu.memref_squeeze %dma_wait3A_48 : memref<1x80xi32, #tpu.memory_space<vmem>> -> memref<80xi32, #tpu.memory_space<vmem>>
      %dma_wait3A_50 = arith.constant 0 : i32
      %dma_wait3A_51 = tpu.memref_slice %arg3[%add3A, %run_scoped3A, %dma_wait3A_50] : memref<32x125x80xi32, #tpu.memory_space<hbm>> -> memref<1x1x80xi32, #tpu.memory_space<hbm>>
      %dma_wait3A_52 = tpu.memref_squeeze %dma_wait3A_51 : memref<1x1x80xi32, #tpu.memory_space<hbm>> -> memref<80xi32, #tpu.memory_space<hbm>>
      %dma_wait3A_53 = arith.constant 0 : i32
      %dma_wait3A_54 = tpu.memref_slice %arg7[%run_scoped3A_3, %dma_wait3A_53] : memref<2x80xi32, #tpu.memory_space<vmem>> -> memref<1x80xi32, #tpu.memory_space<vmem>>
      %dma_wait3A_55 = tpu.memref_squeeze %dma_wait3A_54 : memref<1x80xi32, #tpu.memory_space<vmem>> -> memref<80xi32, #tpu.memory_space<vmem>>
      %dma_wait3A_56 = arith.constant 0 : i32
      %dma_wait3A_57 = tpu.memref_slice %arg3[%add3A, %run_scoped3A, %dma_wait3A_56] : memref<32x125x80xi32, #tpu.memory_space<hbm>> -> memref<1x1x80xi32, #tpu.memory_space<hbm>>
      %dma_wait3A_58 = tpu.memref_squeeze %dma_wait3A_57 : memref<1x1x80xi32, #tpu.memory_space<hbm>> -> memref<80xi32, #tpu.memory_space<hbm>>
      tpu.wait_dma2 semaphore(%run_scoped3A_34 : memref<!tpu.dma_semaphore, #tpu.memory_space<semaphore_mem>>) src(%dma_wait3A_58 : memref<80xi32, #tpu.memory_space<hbm>>) dst(%dma_wait3A_55 : memref<80xi32, #tpu.memory_space<vmem>>)
      tpu.yield
    }) : () -> ()
    %dma_start3A = arith.constant 0 : i32
    %dma_start3A_4 = arith.constant 0 : i32
    %dma_start3A_5 = arith.constant 0 : i32
    %dma_start3A_6 = arith.constant 0 : i32
    %dma_start3A_7 = tpu.memref_slice %arg9[%dma_start3A_4, %dma_start3A_5, %dma_start3A_6] : memref<2x80x128xf32, #tpu.memory_space<vmem>> -> memref<1x80x128xf32, #tpu.memory_space<vmem>>
    %dma_start3A_8 = tpu.memref_squeeze %dma_start3A_7 : memref<1x80x128xf32, #tpu.memory_space<vmem>> -> memref<80x128xf32, #tpu.memory_space<vmem>>
    %dma_start3A_9 = arith.constant 0 : i32
    %dma_start3A_10 = tpu.memref_slice %arg7[%dma_start3A, %dma_start3A_9] : memref<2x80xi32, #tpu.memory_space<vmem>> -> memref<1x80xi32, #tpu.memory_space<vmem>>
    %dma_start3A_11 = tpu.memref_squeeze %dma_start3A_10 : memref<1x80xi32, #tpu.memory_space<vmem>> -> memref<80xi32, #tpu.memory_space<vmem>>
    %dma_start3A_12 = arith.constant 0 : i32
    %dma_start3A_13 = arith.constant 0 : i32
    %dma_start3A_14 = tpu.memref_slice %arg2[%dma_start3A_12, %dma_start3A_13] : memref<10000x128xf32, #tpu.memory_space<hbm>> -> memref<10000x128xf32, #tpu.memory_space<hbm>>
    tpu.enqueue_indirect_dma source(%dma_start3A_14 : memref<10000x128xf32, #tpu.memory_space<hbm>>) target(%dma_start3A_8 : memref<80x128xf32, #tpu.memory_space<vmem>>) offsets(%dma_start3A_11 : memref<80xi32, #tpu.memory_space<vmem>>) semaphore(%arg11 : memref<!tpu.dma_semaphore, #tpu.memory_space<semaphore_mem>>)
    %scan3A = arith.constant 0 : i32
    %scan3A_15 = arith.constant 0 : i32
    %scan3A_16 = arith.constant 62 : i32
    %scan3A_17 = arith.addi %scan3A_15, %scan3A_16 : i32
    %scan3A_18 = arith.constant 1 : i32
    scf.for %scan3A_34 = %scan3A_15 to %scan3A_17 step %scan3A_18  : i32 {
      %mul3A_35 = arith.constant 2 : i32
      %mul3A_36 = arith.muli %mul3A_35, %scan3A_34 : i32
      %add3A_37 = arith.constant 1 : i32
      %add3A_38 = arith.addi %mul3A_36, %add3A_37 : i32
      %run_scoped3A_39 = arith.constant 1 : i32
      "tpu.region"() ({
        %run_scoped3A_80 = tpu.sem_alloc : memref<!tpu.dma_semaphore, #tpu.memory_space<semaphore_mem>>
        %dma_start3A_81 = arith.constant 0 : i32
        %dma_start3A_82 = tpu.memref_slice %arg7[%run_scoped3A_39, %dma_start3A_81] : memref<2x80xi32, #tpu.memory_space<vmem>> -> memref<1x80xi32, #tpu.memory_space<vmem>>
        %dma_start3A_83 = tpu.memref_squeeze %dma_start3A_82 : memref<1x80xi32, #tpu.memory_space<vmem>> -> memref<80xi32, #tpu.memory_space<vmem>>
        %dma_start3A_84 = arith.constant 0 : i32
        %dma_start3A_85 = tpu.memref_slice %arg3[%add3A, %add3A_38, %dma_start3A_84] : memref<32x125x80xi32, #tpu.memory_space<hbm>> -> memref<1x1x80xi32, #tpu.memory_space<hbm>>
        %dma_start3A_86 = tpu.memref_squeeze %dma_start3A_85 : memref<1x1x80xi32, #tpu.memory_space<hbm>> -> memref<80xi32, #tpu.memory_space<hbm>>
        %dma_start3A_87 = arith.constant 0 : i32
        %dma_start3A_88 = tpu.memref_slice %arg7[%run_scoped3A_39, %dma_start3A_87] : memref<2x80xi32, #tpu.memory_space<vmem>> -> memref<1x80xi32, #tpu.memory_space<vmem>>
        %dma_start3A_89 = tpu.memref_squeeze %dma_start3A_88 : memref<1x80xi32, #tpu.memory_space<vmem>> -> memref<80xi32, #tpu.memory_space<vmem>>
        %dma_start3A_90 = arith.constant 0 : i32
        %dma_start3A_91 = tpu.memref_slice %arg3[%add3A, %add3A_38, %dma_start3A_90] : memref<32x125x80xi32, #tpu.memory_space<hbm>> -> memref<1x1x80xi32, #tpu.memory_space<hbm>>
        %dma_start3A_92 = tpu.memref_squeeze %dma_start3A_91 : memref<1x1x80xi32, #tpu.memory_space<hbm>> -> memref<80xi32, #tpu.memory_space<hbm>>
        tpu.enqueue_dma source(%dma_start3A_92 : memref<80xi32, #tpu.memory_space<hbm>>) target(%dma_start3A_89 : memref<80xi32, #tpu.memory_space<vmem>>) target_semaphore(%run_scoped3A_80 : memref<!tpu.dma_semaphore, #tpu.memory_space<semaphore_mem>>)
        %dma_wait3A_93 = arith.constant 0 : i32
        %dma_wait3A_94 = tpu.memref_slice %arg7[%run_scoped3A_39, %dma_wait3A_93] : memref<2x80xi32, #tpu.memory_space<vmem>> -> memref<1x80xi32, #tpu.memory_space<vmem>>
        %dma_wait3A_95 = tpu.memref_squeeze %dma_wait3A_94 : memref<1x80xi32, #tpu.memory_space<vmem>> -> memref<80xi32, #tpu.memory_space<vmem>>
        %dma_wait3A_96 = arith.constant 0 : i32
        %dma_wait3A_97 = tpu.memref_slice %arg3[%add3A, %add3A_38, %dma_wait3A_96] : memref<32x125x80xi32, #tpu.memory_space<hbm>> -> memref<1x1x80xi32, #tpu.memory_space<hbm>>
        %dma_wait3A_98 = tpu.memref_squeeze %dma_wait3A_97 : memref<1x1x80xi32, #tpu.memory_space<hbm>> -> memref<80xi32, #tpu.memory_space<hbm>>
        %dma_wait3A_99 = arith.constant 0 : i32
        %dma_wait3A_100 = tpu.memref_slice %arg7[%run_scoped3A_39, %dma_wait3A_99] : memref<2x80xi32, #tpu.memory_space<vmem>> -> memref<1x80xi32, #tpu.memory_space<vmem>>
        %dma_wait3A_101 = tpu.memref_squeeze %dma_wait3A_100 : memref<1x80xi32, #tpu.memory_space<vmem>> -> memref<80xi32, #tpu.memory_space<vmem>>
        %dma_wait3A_102 = arith.constant 0 : i32
        %dma_wait3A_103 = tpu.memref_slice %arg3[%add3A, %add3A_38, %dma_wait3A_102] : memref<32x125x80xi32, #tpu.memory_space<hbm>> -> memref<1x1x80xi32, #tpu.memory_space<hbm>>
        %dma_wait3A_104 = tpu.memref_squeeze %dma_wait3A_103 : memref<1x1x80xi32, #tpu.memory_space<hbm>> -> memref<80xi32, #tpu.memory_space<hbm>>
        tpu.wait_dma2 semaphore(%run_scoped3A_80 : memref<!tpu.dma_semaphore, #tpu.memory_space<semaphore_mem>>) src(%dma_wait3A_104 : memref<80xi32, #tpu.memory_space<hbm>>) dst(%dma_wait3A_101 : memref<80xi32, #tpu.memory_space<vmem>>)
        tpu.yield
      }) : () -> ()
      %dma_start3A_40 = arith.constant 1 : i32
      %dma_start3A_41 = arith.constant 1 : i32
      %dma_start3A_42 = arith.constant 0 : i32
      %dma_start3A_43 = arith.constant 0 : i32
      %dma_start3A_44 = tpu.memref_slice %arg9[%dma_start3A_41, %dma_start3A_42, %dma_start3A_43] : memref<2x80x128xf32, #tpu.memory_space<vmem>> -> memref<1x80x128xf32, #tpu.memory_space<vmem>>
      %dma_start3A_45 = tpu.memref_squeeze %dma_start3A_44 : memref<1x80x128xf32, #tpu.memory_space<vmem>> -> memref<80x128xf32, #tpu.memory_space<vmem>>
      %dma_start3A_46 = arith.constant 0 : i32
      %dma_start3A_47 = tpu.memref_slice %arg7[%dma_start3A_40, %dma_start3A_46] : memref<2x80xi32, #tpu.memory_space<vmem>> -> memref<1x80xi32, #tpu.memory_space<vmem>>
      %dma_start3A_48 = tpu.memref_squeeze %dma_start3A_47 : memref<1x80xi32, #tpu.memory_space<vmem>> -> memref<80xi32, #tpu.memory_space<vmem>>
      %dma_start3A_49 = arith.constant 0 : i32
      %dma_start3A_50 = arith.constant 0 : i32
      %dma_start3A_51 = tpu.memref_slice %arg2[%dma_start3A_49, %dma_start3A_50] : memref<10000x128xf32, #tpu.memory_space<hbm>> -> memref<10000x128xf32, #tpu.memory_space<hbm>>
      tpu.enqueue_indirect_dma source(%dma_start3A_51 : memref<10000x128xf32, #tpu.memory_space<hbm>>) target(%dma_start3A_45 : memref<80x128xf32, #tpu.memory_space<vmem>>) offsets(%dma_start3A_48 : memref<80xi32, #tpu.memory_space<vmem>>) semaphore(%arg12 : memref<!tpu.dma_semaphore, #tpu.memory_space<semaphore_mem>>)
      %dma_wait3A_52 = arith.constant 0 : i32
      %dma_wait3A_53 = arith.constant 0 : i32
      %dma_wait3A_54 = arith.constant 0 : i32
      %dma_wait3A_55 = arith.constant 0 : i32
      %dma_wait3A_56 = tpu.memref_slice %arg9[%dma_wait3A_53, %dma_wait3A_54, %dma_wait3A_55] : memref<2x80x128xf32, #tpu.memory_space<vmem>> -> memref<1x80x128xf32, #tpu.memory_space<vmem>>
      %dma_wait3A_57 = tpu.memref_squeeze %dma_wait3A_56 : memref<1x80x128xf32, #tpu.memory_space<vmem>> -> memref<80x128xf32, #tpu.memory_space<vmem>>
      %dma_wait3A_58 = arith.constant 0 : i32
      %dma_wait3A_59 = tpu.memref_slice %arg7[%dma_wait3A_52, %dma_wait3A_58] : memref<2x80xi32, #tpu.memory_space<vmem>> -> memref<1x80xi32, #tpu.memory_space<vmem>>
      %dma_wait3A_60 = tpu.memref_squeeze %dma_wait3A_59 : memref<1x80xi32, #tpu.memory_space<vmem>> -> memref<80xi32, #tpu.memory_space<vmem>>
      %dma_wait3A_61 = arith.constant 0 : i32
      %dma_wait3A_62 = arith.constant 0 : i32
      %dma_wait3A_63 = tpu.memref_slice %arg2[%dma_wait3A_61, %dma_wait3A_62] : memref<10000x128xf32, #tpu.memory_space<hbm>> -> memref<10000x128xf32, #tpu.memory_space<hbm>>
      tpu.wait_indirect_dma semaphore(%arg11 : memref<!tpu.dma_semaphore, #tpu.memory_space<semaphore_mem>>) src(%dma_wait3A_63 : memref<10000x128xf32, #tpu.memory_space<hbm>>) dst(%dma_wait3A_57 : memref<80x128xf32, #tpu.memory_space<vmem>>)
      %add3A_64 = arith.constant 2 : i32
      %add3A_65 = arith.addi %mul3A_36, %add3A_64 : i32
      %lt3A = arith.constant 125 : i32
      %lt3A_66 = arith.cmpi slt, %add3A_65, %lt3A : i32
      %convert_element_type3A = arith.extui %lt3A_66 : i1 to i32
      %cond3A = arith.constant 0 : i32
      %cond3A_67 = arith.cmpi ne, %convert_element_type3A, %cond3A : i32
      scf.if %cond3A_67 {
        %add3A_80 = arith.constant 2 : i32
        %add3A_81 = arith.addi %mul3A_36, %add3A_80 : i32
        %run_scoped3A_82 = arith.constant 0 : i32
        "tpu.region"() ({
          %run_scoped3A_95 = tpu.sem_alloc : memref<!tpu.dma_semaphore, #tpu.memory_space<semaphore_mem>>
          %dma_start3A_96 = arith.constant 0 : i32
          %dma_start3A_97 = tpu.memref_slice %arg7[%run_scoped3A_82, %dma_start3A_96] : memref<2x80xi32, #tpu.memory_space<vmem>> -> memref<1x80xi32, #tpu.memory_space<vmem>>
          %dma_start3A_98 = tpu.memref_squeeze %dma_start3A_97 : memref<1x80xi32, #tpu.memory_space<vmem>> -> memref<80xi32, #tpu.memory_space<vmem>>
          %dma_start3A_99 = arith.constant 0 : i32
          %dma_start3A_100 = tpu.memref_slice %arg3[%add3A, %add3A_81, %dma_start3A_99] : memref<32x125x80xi32, #tpu.memory_space<hbm>> -> memref<1x1x80xi32, #tpu.memory_space<hbm>>
          %dma_start3A_101 = tpu.memref_squeeze %dma_start3A_100 : memref<1x1x80xi32, #tpu.memory_space<hbm>> -> memref<80xi32, #tpu.memory_space<hbm>>
          %dma_start3A_102 = arith.constant 0 : i32
          %dma_start3A_103 = tpu.memref_slice %arg7[%run_scoped3A_82, %dma_start3A_102] : memref<2x80xi32, #tpu.memory_space<vmem>> -> memref<1x80xi32, #tpu.memory_space<vmem>>
          %dma_start3A_104 = tpu.memref_squeeze %dma_start3A_103 : memref<1x80xi32, #tpu.memory_space<vmem>> -> memref<80xi32, #tpu.memory_space<vmem>>
          %dma_start3A_105 = arith.constant 0 : i32
          %dma_start3A_106 = tpu.memref_slice %arg3[%add3A, %add3A_81, %dma_start3A_105] : memref<32x125x80xi32, #tpu.memory_space<hbm>> -> memref<1x1x80xi32, #tpu.memory_space<hbm>>
          %dma_start3A_107 = tpu.memref_squeeze %dma_start3A_106 : memref<1x1x80xi32, #tpu.memory_space<hbm>> -> memref<80xi32, #tpu.memory_space<hbm>>
          tpu.enqueue_dma source(%dma_start3A_107 : memref<80xi32, #tpu.memory_space<hbm>>) target(%dma_start3A_104 : memref<80xi32, #tpu.memory_space<vmem>>) target_semaphore(%run_scoped3A_95 : memref<!tpu.dma_semaphore, #tpu.memory_space<semaphore_mem>>)
          %dma_wait3A_108 = arith.constant 0 : i32
          %dma_wait3A_109 = tpu.memref_slice %arg7[%run_scoped3A_82, %dma_wait3A_108] : memref<2x80xi32, #tpu.memory_space<vmem>> -> memref<1x80xi32, #tpu.memory_space<vmem>>
          %dma_wait3A_110 = tpu.memref_squeeze %dma_wait3A_109 : memref<1x80xi32, #tpu.memory_space<vmem>> -> memref<80xi32, #tpu.memory_space<vmem>>
          %dma_wait3A_111 = arith.constant 0 : i32
          %dma_wait3A_112 = tpu.memref_slice %arg3[%add3A, %add3A_81, %dma_wait3A_111] : memref<32x125x80xi32, #tpu.memory_space<hbm>> -> memref<1x1x80xi32, #tpu.memory_space<hbm>>
          %dma_wait3A_113 = tpu.memref_squeeze %dma_wait3A_112 : memref<1x1x80xi32, #tpu.memory_space<hbm>> -> memref<80xi32, #tpu.memory_space<hbm>>
          %dma_wait3A_114 = arith.constant 0 : i32
          %dma_wait3A_115 = tpu.memref_slice %arg7[%run_scoped3A_82, %dma_wait3A_114] : memref<2x80xi32, #tpu.memory_space<vmem>> -> memref<1x80xi32, #tpu.memory_space<vmem>>
          %dma_wait3A_116 = tpu.memref_squeeze %dma_wait3A_115 : memref<1x80xi32, #tpu.memory_space<vmem>> -> memref<80xi32, #tpu.memory_space<vmem>>
          %dma_wait3A_117 = arith.constant 0 : i32
          %dma_wait3A_118 = tpu.memref_slice %arg3[%add3A, %add3A_81, %dma_wait3A_117] : memref<32x125x80xi32, #tpu.memory_space<hbm>> -> memref<1x1x80xi32, #tpu.memory_space<hbm>>
          %dma_wait3A_119 = tpu.memref_squeeze %dma_wait3A_118 : memref<1x1x80xi32, #tpu.memory_space<hbm>> -> memref<80xi32, #tpu.memory_space<hbm>>
          tpu.wait_dma2 semaphore(%run_scoped3A_95 : memref<!tpu.dma_semaphore, #tpu.memory_space<semaphore_mem>>) src(%dma_wait3A_119 : memref<80xi32, #tpu.memory_space<hbm>>) dst(%dma_wait3A_116 : memref<80xi32, #tpu.memory_space<vmem>>)
          tpu.yield
        }) : () -> ()
        %dma_start3A_83 = arith.constant 0 : i32
        %dma_start3A_84 = arith.constant 0 : i32
        %dma_start3A_85 = arith.constant 0 : i32
        %dma_start3A_86 = arith.constant 0 : i32
        %dma_start3A_87 = tpu.memref_slice %arg9[%dma_start3A_84, %dma_start3A_85, %dma_start3A_86] : memref<2x80x128xf32, #tpu.memory_space<vmem>> -> memref<1x80x128xf32, #tpu.memory_space<vmem>>
        %dma_start3A_88 = tpu.memref_squeeze %dma_start3A_87 : memref<1x80x128xf32, #tpu.memory_space<vmem>> -> memref<80x128xf32, #tpu.memory_space<vmem>>
        %dma_start3A_89 = arith.constant 0 : i32
        %dma_start3A_90 = tpu.memref_slice %arg7[%dma_start3A_83, %dma_start3A_89] : memref<2x80xi32, #tpu.memory_space<vmem>> -> memref<1x80xi32, #tpu.memory_space<vmem>>
        %dma_start3A_91 = tpu.memref_squeeze %dma_start3A_90 : memref<1x80xi32, #tpu.memory_space<vmem>> -> memref<80xi32, #tpu.memory_space<vmem>>
        %dma_start3A_92 = arith.constant 0 : i32
        %dma_start3A_93 = arith.constant 0 : i32
        %dma_start3A_94 = tpu.memref_slice %arg2[%dma_start3A_92, %dma_start3A_93] : memref<10000x128xf32, #tpu.memory_space<hbm>> -> memref<10000x128xf32, #tpu.memory_space<hbm>>
        tpu.enqueue_indirect_dma source(%dma_start3A_94 : memref<10000x128xf32, #tpu.memory_space<hbm>>) target(%dma_start3A_88 : memref<80x128xf32, #tpu.memory_space<vmem>>) offsets(%dma_start3A_91 : memref<80xi32, #tpu.memory_space<vmem>>) semaphore(%arg11 : memref<!tpu.dma_semaphore, #tpu.memory_space<semaphore_mem>>)
      } else {
      }
      %dma_wait3A_68 = arith.constant 1 : i32
      %dma_wait3A_69 = arith.constant 1 : i32
      %dma_wait3A_70 = arith.constant 0 : i32
      %dma_wait3A_71 = arith.constant 0 : i32
      %dma_wait3A_72 = tpu.memref_slice %arg9[%dma_wait3A_69, %dma_wait3A_70, %dma_wait3A_71] : memref<2x80x128xf32, #tpu.memory_space<vmem>> -> memref<1x80x128xf32, #tpu.memory_space<vmem>>
      %dma_wait3A_73 = tpu.memref_squeeze %dma_wait3A_72 : memref<1x80x128xf32, #tpu.memory_space<vmem>> -> memref<80x128xf32, #tpu.memory_space<vmem>>
      %dma_wait3A_74 = arith.constant 0 : i32
      %dma_wait3A_75 = tpu.memref_slice %arg7[%dma_wait3A_68, %dma_wait3A_74] : memref<2x80xi32, #tpu.memory_space<vmem>> -> memref<1x80xi32, #tpu.memory_space<vmem>>
      %dma_wait3A_76 = tpu.memref_squeeze %dma_wait3A_75 : memref<1x80xi32, #tpu.memory_space<vmem>> -> memref<80xi32, #tpu.memory_space<vmem>>
      %dma_wait3A_77 = arith.constant 0 : i32
      %dma_wait3A_78 = arith.constant 0 : i32
      %dma_wait3A_79 = tpu.memref_slice %arg2[%dma_wait3A_77, %dma_wait3A_78] : memref<10000x128xf32, #tpu.memory_space<hbm>> -> memref<10000x128xf32, #tpu.memory_space<hbm>>
      tpu.wait_indirect_dma semaphore(%arg12 : memref<!tpu.dma_semaphore, #tpu.memory_space<semaphore_mem>>) src(%dma_wait3A_79 : memref<10000x128xf32, #tpu.memory_space<hbm>>) dst(%dma_wait3A_73 : memref<80x128xf32, #tpu.memory_space<vmem>>)
    }
    %scan3A_19 = arith.constant 62 : i32
    %dma_wait3A = arith.constant 0 : i32
    %dma_wait3A_20 = arith.constant 0 : i32
    %dma_wait3A_21 = arith.constant 0 : i32
    %dma_wait3A_22 = arith.constant 0 : i32
    %dma_wait3A_23 = tpu.memref_slice %arg9[%dma_wait3A_20, %dma_wait3A_21, %dma_wait3A_22] : memref<2x80x128xf32, #tpu.memory_space<vmem>> -> memref<1x80x128xf32, #tpu.memory_space<vmem>>
    %dma_wait3A_24 = tpu.memref_squeeze %dma_wait3A_23 : memref<1x80x128xf32, #tpu.memory_space<vmem>> -> memref<80x128xf32, #tpu.memory_space<vmem>>
    %dma_wait3A_25 = arith.constant 0 : i32
    %dma_wait3A_26 = tpu.memref_slice %arg7[%dma_wait3A, %dma_wait3A_25] : memref<2x80xi32, #tpu.memory_space<vmem>> -> memref<1x80xi32, #tpu.memory_space<vmem>>
    %dma_wait3A_27 = tpu.memref_squeeze %dma_wait3A_26 : memref<1x80xi32, #tpu.memory_space<vmem>> -> memref<80xi32, #tpu.memory_space<vmem>>
    %dma_wait3A_28 = arith.constant 0 : i32
    %dma_wait3A_29 = arith.constant 0 : i32
    %dma_wait3A_30 = tpu.memref_slice %arg2[%dma_wait3A_28, %dma_wait3A_29] : memref<10000x128xf32, #tpu.memory_space<hbm>> -> memref<10000x128xf32, #tpu.memory_space<hbm>>
    tpu.wait_indirect_dma semaphore(%arg11 : memref<!tpu.dma_semaphore, #tpu.memory_space<semaphore_mem>>) src(%dma_wait3A_30 : memref<10000x128xf32, #tpu.memory_space<hbm>>) dst(%dma_wait3A_24 : memref<80x128xf32, #tpu.memory_space<vmem>>)
    %run_scoped3A_31 = arith.constant 0 : i32
    %run_scoped3A_32 = arith.constant 124 : i32
    "tpu.region"() ({
      %run_scoped3A_34 = tpu.sem_alloc : memref<!tpu.dma_semaphore, #tpu.memory_space<semaphore_mem>>
      %dma_start3A_35 = arith.constant 0 : i32
      %dma_start3A_36 = arith.constant 0 : i32
      %dma_start3A_37 = tpu.memref_slice %arg9[%run_scoped3A_31, %dma_start3A_35, %dma_start3A_36] : memref<2x80x128xf32, #tpu.memory_space<vmem>> -> memref<1x80x128xf32, #tpu.memory_space<vmem>>
      %dma_start3A_38 = tpu.memref_squeeze %dma_start3A_37 : memref<1x80x128xf32, #tpu.memory_space<vmem>> -> memref<80x128xf32, #tpu.memory_space<vmem>>
      %dma_start3A_39 = arith.constant 0 : i32
      %dma_start3A_40 = tpu.memref_slice %arg8[%run_scoped3A_32, %dma_start3A_39] : memref<125x80xi32, #tpu.memory_space<vmem>> -> memref<1x80xi32, #tpu.memory_space<vmem>>
      %dma_start3A_41 = tpu.memref_squeeze %dma_start3A_40 : memref<1x80xi32, #tpu.memory_space<vmem>> -> memref<80xi32, #tpu.memory_space<vmem>>
      %dma_start3A_42 = arith.constant 0 : i32
      %dma_start3A_43 = arith.constant 0 : i32
      %dma_start3A_44 = tpu.memref_slice %arg10[%dma_start3A_42, %dma_start3A_43] : memref<10240x128xf32, #tpu.memory_space<vmem_shared>> -> memref<10240x128xf32, #tpu.memory_space<vmem_shared>>
      tpu.enqueue_indirect_dma source(%dma_start3A_38 : memref<80x128xf32, #tpu.memory_space<vmem>>) target(%dma_start3A_44 : memref<10240x128xf32, #tpu.memory_space<vmem_shared>>) offsets(%dma_start3A_41 : memref<80xi32, #tpu.memory_space<vmem>>) semaphore(%run_scoped3A_34 : memref<!tpu.dma_semaphore, #tpu.memory_space<semaphore_mem>>) {add = true}
      %dma_wait3A_45 = arith.constant 0 : i32
      %dma_wait3A_46 = arith.constant 0 : i32
      %dma_wait3A_47 = tpu.memref_slice %arg9[%run_scoped3A_31, %dma_wait3A_45, %dma_wait3A_46] : memref<2x80x128xf32, #tpu.memory_space<vmem>> -> memref<1x80x128xf32, #tpu.memory_space<vmem>>
      %dma_wait3A_48 = tpu.memref_squeeze %dma_wait3A_47 : memref<1x80x128xf32, #tpu.memory_space<vmem>> -> memref<80x128xf32, #tpu.memory_space<vmem>>
      %dma_wait3A_49 = arith.constant 0 : i32
      %dma_wait3A_50 = tpu.memref_slice %arg8[%run_scoped3A_32, %dma_wait3A_49] : memref<125x80xi32, #tpu.memory_space<vmem>> -> memref<1x80xi32, #tpu.memory_space<vmem>>
      %dma_wait3A_51 = tpu.memref_squeeze %dma_wait3A_50 : memref<1x80xi32, #tpu.memory_space<vmem>> -> memref<80xi32, #tpu.memory_space<vmem>>
      %dma_wait3A_52 = arith.constant 0 : i32
      %dma_wait3A_53 = arith.constant 0 : i32
      %dma_wait3A_54 = tpu.memref_slice %arg10[%dma_wait3A_52, %dma_wait3A_53] : memref<10240x128xf32, #tpu.memory_space<vmem_shared>> -> memref<10240x128xf32, #tpu.memory_space<vmem_shared>>
      tpu.wait_indirect_dma semaphore(%run_scoped3A_34 : memref<!tpu.dma_semaphore, #tpu.memory_space<semaphore_mem>>) src(%dma_wait3A_48 : memref<80x128xf32, #tpu.memory_space<vmem>>) dst(%dma_wait3A_54 : memref<10240x128xf32, #tpu.memory_space<vmem_shared>>)
      tpu.yield
    }) : () -> ()
    %barrier3A_33 = arith.constant 0 : index
    tpu.barrier barrier_id(%barrier3A_33)
    "tpu.region"() ({
      %run_scoped3A_34 = tpu.sem_alloc : memref<!tpu.dma_semaphore, #tpu.memory_space<semaphore_mem>>
      %dma_start3A_35 = arith.constant 0 : i32
      %dma_start3A_36 = tpu.memref_slice %arg6[%arg0, %mul3A_2, %dma_start3A_35] : memref<2x10240x128xf32, #tpu.memory_space<hbm>> -> memref<1x640x128xf32, #tpu.memory_space<hbm>>
      %dma_start3A_37 = tpu.memref_squeeze %dma_start3A_36 : memref<1x640x128xf32, #tpu.memory_space<hbm>> -> memref<640x128xf32, #tpu.memory_space<hbm>>
      %dma_start3A_38 = arith.constant 0 : i32
      %dma_start3A_39 = tpu.memref_slice %arg10[%mul3A_2, %dma_start3A_38] : memref<10240x128xf32, #tpu.memory_space<vmem_shared>> -> memref<640x128xf32, #tpu.memory_space<vmem_shared>>
      tpu.enqueue_dma source(%dma_start3A_39 : memref<640x128xf32, #tpu.memory_space<vmem_shared>>) target(%dma_start3A_37 : memref<640x128xf32, #tpu.memory_space<hbm>>) target_semaphore(%run_scoped3A_34 : memref<!tpu.dma_semaphore, #tpu.memory_space<semaphore_mem>>)
      %dma_wait3A_40 = arith.constant 0 : i32
      %dma_wait3A_41 = tpu.memref_slice %arg6[%arg0, %mul3A_2, %dma_wait3A_40] : memref<2x10240x128xf32, #tpu.memory_space<hbm>> -> memref<1x640x128xf32, #tpu.memory_space<hbm>>
      %dma_wait3A_42 = tpu.memref_squeeze %dma_wait3A_41 : memref<1x640x128xf32, #tpu.memory_space<hbm>> -> memref<640x128xf32, #tpu.memory_space<hbm>>
      %dma_wait3A_43 = arith.constant 0 : i32
      %dma_wait3A_44 = tpu.memref_slice %arg10[%mul3A_2, %dma_wait3A_43] : memref<10240x128xf32, #tpu.memory_space<vmem_shared>> -> memref<640x128xf32, #tpu.memory_space<vmem_shared>>
      tpu.wait_dma2 semaphore(%run_scoped3A_34 : memref<!tpu.dma_semaphore, #tpu.memory_space<semaphore_mem>>) src(%dma_wait3A_44 : memref<640x128xf32, #tpu.memory_space<vmem_shared>>) dst(%dma_wait3A_42 : memref<640x128xf32, #tpu.memory_space<hbm>>)
      tpu.yield
    }) : () -> ()
    return
  }
}

module attributes {stable_mosaic.version = 14 : i64} {
  func.func @body(%arg0: memref<10000x128xf32, #tpu.memory_space<vmem>>, %arg1: memref<128x128xf32, #tpu.memory_space<vmem>>, %arg2: memref<10000x128xf32, #tpu.memory_space<vmem>>) attributes {dimension_semantics = [], scalar_prefetch = 0 : i64, scratch_operands = 0 : i64, tpu.core_type = #tpu.core_type<tc>} {
    %get3A = arith.constant 0 : index
    %get3A_0 = arith.constant 0 : index
    %get3A_1 = vector.load %arg0[%get3A, %get3A_0] : memref<10000x128xf32, #tpu.memory_space<vmem>>, vector<10000x128xf32>
    %get3A_2 = arith.constant 0 : index
    %get3A_3 = arith.constant 0 : index
    %get3A_4 = vector.load %arg1[%get3A_2, %get3A_3] : memref<128x128xf32, #tpu.memory_space<vmem>>, vector<128x128xf32>
    %dot_general3A = arith.constant dense<0.000000e+00> : vector<10000x128xf32>
    %dot_general3A_5 = tpu.matmul %get3A_1, %get3A_4, %dot_general3A {dimension_numbers = #tpu.dot_dimension_numbers<[1], [0], [0], [1], [0, 0, 1, 1], [], []>, transpose_lhs_hint = false} : vector<10000x128xf32>, vector<128x128xf32>, vector<10000x128xf32> -> vector<10000x128xf32>
    %swap3A = arith.constant 0 : index
    %swap3A_6 = arith.constant 0 : index
    %swap3A_7 = vector.load %arg2[%swap3A, %swap3A_6] : memref<10000x128xf32, #tpu.memory_space<vmem>>, vector<10000x128xf32>
    tpu.vector_store %arg2[%swap3A, %swap3A_6], %dot_general3A_5 {strides = array<i32>} : memref<10000x128xf32, #tpu.memory_space<vmem>>, vector<10000x128xf32>,
    return
  }
}

module attributes {stable_mosaic.version = 14 : i64} {
  func.func @body(%arg0: memref<2x10240xf32, #tpu.memory_space<vmem>>, %arg1: memref<10000x128xf32, #tpu.memory_space<vmem>>, %arg2: memref<10000x128xf32, #tpu.memory_space<vmem>>, %arg3: memref<10000x1xf32, #tpu.memory_space<vmem>>) attributes {dimension_semantics = [], scalar_prefetch = 0 : i64, scratch_operands = 0 : i64, tpu.core_type = #tpu.core_type<tc>} {
    %get3A = arith.constant 0 : index
    %get3A_0 = arith.constant 0 : index
    %get3A_1 = vector.load %arg0[%get3A, %get3A_0] : memref<2x10240xf32, #tpu.memory_space<vmem>>, vector<1x10000xf32>
    %get3A_2 = vector.shape_cast %get3A_1 : vector<1x10000xf32> to vector<10000xf32>
    %add3A = arith.constant 1.000000e+00 : f32
    %add3A_3 = vector.broadcast %add3A : f32 to vector<10000xf32>
    %add3A_4 = arith.addf %add3A_3, %get3A_2 : vector<10000xf32>
    %get3A_5 = arith.constant 1 : index
    %get3A_6 = arith.constant 0 : index
    %get3A_7 = vector.load %arg0[%get3A_5, %get3A_6] : memref<2x10240xf32, #tpu.memory_space<vmem>>, vector<1x10000xf32>
    %get3A_8 = vector.shape_cast %get3A_7 : vector<1x10000xf32> to vector<10000xf32>
    %add3A_9 = arith.addf %add3A_4, %get3A_8 : vector<10000xf32>
    %rsqrt3A = math.rsqrt %add3A_9 : vector<10000xf32>
    %broadcast_in_dim3A = vector.shape_cast %rsqrt3A : vector<10000xf32> to vector<10000x1xf32>
    %swap3A = arith.constant 0 : index
    %swap3A_10 = arith.constant 0 : index
    %swap3A_11 = vector.load %arg3[%swap3A, %swap3A_10] : memref<10000x1xf32, #tpu.memory_space<vmem>>, vector<10000x1xf32>
    tpu.vector_store %arg3[%swap3A, %swap3A_10], %broadcast_in_dim3A {strides = array<i32>} : memref<10000x1xf32, #tpu.memory_space<vmem>>, vector<10000x1xf32>,
    %get3A_12 = arith.constant 0 : index
    %get3A_13 = arith.constant 0 : index
    %get3A_14 = vector.load %arg1[%get3A_12, %get3A_13] : memref<10000x128xf32, #tpu.memory_space<vmem>>, vector<10000x128xf32>
    %mul3A = vector.broadcast %broadcast_in_dim3A : vector<10000x1xf32> to vector<10000x128xf32>
    %mul3A_15 = arith.mulf %get3A_14, %mul3A : vector<10000x128xf32>
    %swap3A_16 = arith.constant 0 : index
    %swap3A_17 = arith.constant 0 : index
    %swap3A_18 = vector.load %arg2[%swap3A_16, %swap3A_17] : memref<10000x128xf32, #tpu.memory_space<vmem>>, vector<10000x128xf32>
    tpu.vector_store %arg2[%swap3A_16, %swap3A_17], %mul3A_15 {strides = array<i32>} : memref<10000x128xf32, #tpu.memory_space<vmem>>, vector<10000x128xf32>,
    return
  }
}

module attributes {stable_mosaic.version = 14 : i64} {
  func.func @body(%arg0: memref<2x10240x128xf32, #tpu.memory_space<vmem>>, %arg1: memref<10000x128xf32, #tpu.memory_space<vmem>>, %arg2: memref<10000x1xf32, #tpu.memory_space<vmem>>, %arg3: memref<1x128xf32, #tpu.memory_space<vmem>>, %arg4: memref<1x128xf32, #tpu.memory_space<vmem>>, %arg5: memref<1x128xf32, #tpu.memory_space<vmem>>, %arg6: memref<128x128xf32, #tpu.memory_space<vmem>>, %arg7: memref<10000x128xf32, #tpu.memory_space<vmem>>) attributes {dimension_semantics = [], scalar_prefetch = 0 : i64, scratch_operands = 0 : i64, tpu.core_type = #tpu.core_type<tc>} {
    %get3A = arith.constant 0 : index
    %get3A_0 = arith.constant 0 : index
    %get3A_1 = arith.constant 0 : index
    %get3A_2 = vector.load %arg0[%get3A, %get3A_0, %get3A_1] : memref<2x10240x128xf32, #tpu.memory_space<vmem>>, vector<1x10000x128xf32>
    %get3A_3 = vector.shape_cast %get3A_2 : vector<1x10000x128xf32> to vector<10000x128xf32>
    %get3A_4 = arith.constant 1 : index
    %get3A_5 = arith.constant 0 : index
    %get3A_6 = arith.constant 0 : index
    %get3A_7 = vector.load %arg0[%get3A_4, %get3A_5, %get3A_6] : memref<2x10240x128xf32, #tpu.memory_space<vmem>>, vector<1x10000x128xf32>
    %get3A_8 = vector.shape_cast %get3A_7 : vector<1x10000x128xf32> to vector<10000x128xf32>
    %add3A = arith.addf %get3A_3, %get3A_8 : vector<10000x128xf32>
    %get3A_9 = arith.constant 0 : index
    %get3A_10 = arith.constant 0 : index
    %get3A_11 = vector.load %arg1[%get3A_9, %get3A_10] : memref<10000x128xf32, #tpu.memory_space<vmem>>, vector<10000x128xf32>
    %add3A_12 = arith.addf %add3A, %get3A_11 : vector<10000x128xf32>
    %get3A_13 = arith.constant 0 : index
    %get3A_14 = arith.constant 0 : index
    %get3A_15 = vector.load %arg2[%get3A_13, %get3A_14] : memref<10000x1xf32, #tpu.memory_space<vmem>>, vector<10000x1xf32>
    %mul3A = vector.broadcast %get3A_15 : vector<10000x1xf32> to vector<10000x128xf32>
    %mul3A_16 = arith.mulf %add3A_12, %mul3A : vector<10000x128xf32>
    %get3A_17 = arith.constant 0 : index
    %get3A_18 = arith.constant 0 : index
    %get3A_19 = vector.load %arg3[%get3A_17, %get3A_18] : memref<1x128xf32, #tpu.memory_space<vmem>>, vector<1x128xf32>
    %add3A_20 = vector.broadcast %get3A_19 : vector<1x128xf32> to vector<10000x128xf32>
    %add3A_21 = arith.addf %mul3A_16, %add3A_20 : vector<10000x128xf32>
    %reduce_sum3A = arith.constant dense<0.000000e+00> : vector<128xf32>
    %reduce_sum3A_22 = vector.multi_reduction <add>, %add3A_21, %reduce_sum3A [0] : vector<10000x128xf32> to vector<128xf32>
    %broadcast_in_dim3A = vector.shape_cast %reduce_sum3A_22 : vector<128xf32> to vector<1x128xf32>
    %div3A = arith.constant 1.000000e+04 : f32
    %div3A_23 = vector.broadcast %div3A : f32 to vector<1x128xf32>
    %div3A_24 = arith.divf %broadcast_in_dim3A, %div3A_23 : vector<1x128xf32>
    %sub3A = vector.broadcast %div3A_24 : vector<1x128xf32> to vector<10000x128xf32>
    %sub3A_25 = arith.subf %add3A_21, %sub3A : vector<10000x128xf32>
    %mul3A_26 = arith.mulf %sub3A_25, %sub3A_25 : vector<10000x128xf32>
    %reduce_sum3A_27 = arith.constant dense<0.000000e+00> : vector<128xf32>
    %reduce_sum3A_28 = vector.multi_reduction <add>, %mul3A_26, %reduce_sum3A_27 [0] : vector<10000x128xf32> to vector<128xf32>
    %broadcast_in_dim3A_29 = vector.shape_cast %reduce_sum3A_28 : vector<128xf32> to vector<1x128xf32>
    %div3A_30 = arith.constant 1.000000e+04 : f32
    %div3A_31 = vector.broadcast %div3A_30 : f32 to vector<1x128xf32>
    %div3A_32 = arith.divf %broadcast_in_dim3A_29, %div3A_31 : vector<1x128xf32>
    %get3A_33 = arith.constant 0 : index
    %get3A_34 = arith.constant 0 : index
    %get3A_35 = vector.load %arg4[%get3A_33, %get3A_34] : memref<1x128xf32, #tpu.memory_space<vmem>>, vector<1x128xf32>
    %mul3A_36 = vector.broadcast %get3A_35 : vector<1x128xf32> to vector<10000x128xf32>
    %mul3A_37 = arith.mulf %mul3A_36, %sub3A_25 : vector<10000x128xf32>
    %add3A_38 = arith.constant 9.99999974E-6 : f32
    %add3A_39 = vector.broadcast %add3A_38 : f32 to vector<1x128xf32>
    %add3A_40 = arith.addf %div3A_32, %add3A_39 : vector<1x128xf32>
    %rsqrt3A = math.rsqrt %add3A_40 : vector<1x128xf32>
    %mul3A_41 = vector.broadcast %rsqrt3A : vector<1x128xf32> to vector<10000x128xf32>
    %mul3A_42 = arith.mulf %mul3A_37, %mul3A_41 : vector<10000x128xf32>
    %get3A_43 = arith.constant 0 : index
    %get3A_44 = arith.constant 0 : index
    %get3A_45 = vector.load %arg5[%get3A_43, %get3A_44] : memref<1x128xf32, #tpu.memory_space<vmem>>, vector<1x128xf32>
    %add3A_46 = vector.broadcast %get3A_45 : vector<1x128xf32> to vector<10000x128xf32>
    %add3A_47 = arith.addf %mul3A_42, %add3A_46 : vector<10000x128xf32>
    %max3A = arith.constant 0.000000e+00 : f32
    %max3A_48 = vector.broadcast %max3A : f32 to vector<10000x128xf32>
    %max3A_49 = arith.maximumf %add3A_47, %max3A_48 : vector<10000x128xf32>
    %get3A_50 = arith.constant 0 : index
    %get3A_51 = arith.constant 0 : index
    %get3A_52 = vector.load %arg6[%get3A_50, %get3A_51] : memref<128x128xf32, #tpu.memory_space<vmem>>, vector<128x128xf32>
    %dot_general3A = arith.constant dense<0.000000e+00> : vector<10000x128xf32>
    %dot_general3A_53 = tpu.matmul %max3A_49, %get3A_52, %dot_general3A {dimension_numbers = #tpu.dot_dimension_numbers<[1], [0], [0], [1], [0, 0, 1, 1], [], []>, transpose_lhs_hint = false} : vector<10000x128xf32>, vector<128x128xf32>, vector<10000x128xf32> -> vector<10000x128xf32>
    %get3A_54 = arith.constant 0 : index
    %get3A_55 = arith.constant 0 : index
    %get3A_56 = vector.load %arg2[%get3A_54, %get3A_55] : memref<10000x1xf32, #tpu.memory_space<vmem>>, vector<10000x1xf32>
    %mul3A_57 = vector.broadcast %get3A_56 : vector<10000x1xf32> to vector<10000x128xf32>
    %mul3A_58 = arith.mulf %dot_general3A_53, %mul3A_57 : vector<10000x128xf32>
    %swap3A = arith.constant 0 : index
    %swap3A_59 = arith.constant 0 : index
    %swap3A_60 = vector.load %arg7[%swap3A, %swap3A_59] : memref<10000x128xf32, #tpu.memory_space<vmem>>, vector<10000x128xf32>
    tpu.vector_store %arg7[%swap3A, %swap3A_59], %mul3A_58 {strides = array<i32>} : memref<10000x128xf32, #tpu.memory_space<vmem>>, vector<10000x128xf32>,
    return
  }
}

module attributes {stable_mosaic.version = 14 : i64} {
  func.func @body(%arg0: memref<2x10240x128xf32, #tpu.memory_space<vmem>>, %arg1: memref<10000x128xf32, #tpu.memory_space<vmem>>, %arg2: memref<10000x1xf32, #tpu.memory_space<vmem>>, %arg3: memref<1x128xf32, #tpu.memory_space<vmem>>, %arg4: memref<10000x40xf32, #tpu.memory_space<vmem>>) attributes {dimension_semantics = [], scalar_prefetch = 0 : i64, scratch_operands = 0 : i64, tpu.core_type = #tpu.core_type<tc>} {
    %get3A = arith.constant 0 : index
    %get3A_0 = arith.constant 0 : index
    %get3A_1 = arith.constant 0 : index
    %get3A_2 = vector.load %arg0[%get3A, %get3A_0, %get3A_1] : memref<2x10240x128xf32, #tpu.memory_space<vmem>>, vector<1x10000x128xf32>
    %get3A_3 = vector.shape_cast %get3A_2 : vector<1x10000x128xf32> to vector<10000x128xf32>
    %get3A_4 = arith.constant 1 : index
    %get3A_5 = arith.constant 0 : index
    %get3A_6 = arith.constant 0 : index
    %get3A_7 = vector.load %arg0[%get3A_4, %get3A_5, %get3A_6] : memref<2x10240x128xf32, #tpu.memory_space<vmem>>, vector<1x10000x128xf32>
    %get3A_8 = vector.shape_cast %get3A_7 : vector<1x10000x128xf32> to vector<10000x128xf32>
    %add3A = arith.addf %get3A_3, %get3A_8 : vector<10000x128xf32>
    %get3A_9 = arith.constant 0 : index
    %get3A_10 = arith.constant 0 : index
    %get3A_11 = vector.load %arg1[%get3A_9, %get3A_10] : memref<10000x128xf32, #tpu.memory_space<vmem>>, vector<10000x128xf32>
    %add3A_12 = arith.addf %add3A, %get3A_11 : vector<10000x128xf32>
    %get3A_13 = arith.constant 0 : index
    %get3A_14 = arith.constant 0 : index
    %get3A_15 = vector.load %arg2[%get3A_13, %get3A_14] : memref<10000x1xf32, #tpu.memory_space<vmem>>, vector<10000x1xf32>
    %mul3A = vector.broadcast %get3A_15 : vector<10000x1xf32> to vector<10000x128xf32>
    %mul3A_16 = arith.mulf %add3A_12, %mul3A : vector<10000x128xf32>
    %get3A_17 = arith.constant 0 : index
    %get3A_18 = arith.constant 0 : index
    %get3A_19 = vector.load %arg3[%get3A_17, %get3A_18] : memref<1x128xf32, #tpu.memory_space<vmem>>, vector<1x128xf32>
    %add3A_20 = vector.broadcast %get3A_19 : vector<1x128xf32> to vector<10000x128xf32>
    %add3A_21 = arith.addf %mul3A_16, %add3A_20 : vector<10000x128xf32>
    %slice3A = vector.extract_strided_slice %add3A_21 {offsets = [0, 0], sizes = [10000, 40], strides = [1, 1]} : vector<10000x128xf32> to vector<10000x40xf32>
    %reduce_max3A = arith.constant dense<0xFF800000> : vector<10000xf32>
    %reduce_max3A_22 = vector.multi_reduction <maximumf>, %slice3A, %reduce_max3A [1] : vector<10000x40xf32> to vector<10000xf32>
    %broadcast_in_dim3A = vector.shape_cast %reduce_max3A_22 : vector<10000xf32> to vector<10000x1xf32>
    %sub3A = vector.broadcast %broadcast_in_dim3A : vector<10000x1xf32> to vector<10000x40xf32>
    %sub3A_23 = arith.subf %slice3A, %sub3A : vector<10000x40xf32>
    %exp3A = math.exp %sub3A_23 : vector<10000x40xf32>
    %reduce_sum3A = arith.constant dense<0.000000e+00> : vector<10000xf32>
    %reduce_sum3A_24 = vector.multi_reduction <add>, %exp3A, %reduce_sum3A [1] : vector<10000x40xf32> to vector<10000xf32>
    %broadcast_in_dim3A_25 = vector.shape_cast %reduce_sum3A_24 : vector<10000xf32> to vector<10000x1xf32>
    %log3A = math.log %broadcast_in_dim3A_25 : vector<10000x1xf32>
    %sub3A_26 = vector.broadcast %broadcast_in_dim3A : vector<10000x1xf32> to vector<10000x40xf32>
    %sub3A_27 = arith.subf %slice3A, %sub3A_26 : vector<10000x40xf32>
    %sub3A_28 = vector.broadcast %log3A : vector<10000x1xf32> to vector<10000x40xf32>
    %sub3A_29 = arith.subf %sub3A_27, %sub3A_28 : vector<10000x40xf32>
    %swap3A = arith.constant 0 : index
    %swap3A_30 = arith.constant 0 : index
    %swap3A_31 = vector.load %arg4[%swap3A, %swap3A_30] : memref<10000x40xf32, #tpu.memory_space<vmem>>, vector<10000x40xf32>
    tpu.vector_store %arg4[%swap3A, %swap3A_30], %sub3A_29 {strides = array<i32>} : memref<10000x40xf32, #tpu.memory_space<vmem>>, vector<10000x40xf32>,
    return
  }
}

</mosaic_0001>

<sc_bundles>
// kernel: kernel.11.cloned.1.call-start
scs
__scs_entry_jumppad:
0x0: {  	(pc) =	sbr.rel $0x88, $3  }
0x1: {  	(tag) =	ssettag $0x0;
	lr =	simm.s32 $0x1  }
0x2: {  	[smem:$0x3F95] =	sst lr;
	_ =	strace $0xD0000000  }
0x3: {  	_ = 	snop  }
0x4: {  	_ = 	snop  }
0x5: {  	_ = 	snop  }
0x6: {  	_ = 	snop  }
0x7: {  	_ = 	snop  }
__scs_overlays_trampoline_lowered:
0x8: {  	[smem:$0x3FA4] =	sst s0  }
0x9: {  	[smem:$0x3FA5] =	sst s1  }
0xa: {  	[smem:$0x3FA6] =	sst s2  }
0xb: {  	[smem:$0x3FA7] =	sst s3  }
0xc: {  	[smem:$0x3FA8] =	sst s4  }
0xd: {  	[smem:$0x3FA9] =	sst s5  }
0xe: {  	[smem:$0x3FAA] =	sst s6  }
0xf: {  	[smem:$0x3FAB] =	sst s7  }
0x10: {  	[smem:$0x3FAC] =	sst s8  }
0x11: {  	[smem:$0x3FAD] =	sst s9;
	s0 =	simm.s32 @!p0 $0x0  }
0x12: {  	s1 =	sld [smem:$0x3F93];
	s0 =	simm.s32 @p0 $0x1  }
0x13: {  	[smem:$0x3FAE] =	sst s0;
	s0 =	simm.s32 @!p1 $0x0  }
0x14: {  	s2 =	sld [smem:$0x3F92];
	s0 =	simm.s32 @p1 $0x1  }
0x15: {  	[smem:$0x3FAF] =	sst s0;
	s0 =	simm.s32 @!p2 $0x0  }
0x16: {  	s3 =	sld [smem:$0x3FDB];
	s0 =	simm.s32 @p2 $0x1  }
0x17: {  	s4 =	simm.s32 $0x1BF5;
	[smem:$0x3FB1] =	sst s0  }
0x18: {  	s0 =	sld [smem:$0x3F94];
	_ =	swait.ge [sflag:s4], $0x0  }
0x19: {  	s7 =	sld [smem:$0x3F95]  }
0x1a: {  	s8 =	sadd.s32 $0xFFFFE003, lr  }
0x1b: {  	s9 =	sadd.s32 $0xFFFFFEF7, lr;
	s5 =	simm.s32 $0xFFFFFFFF;
	p2 =	slt.u32 s8, $0xFFFFF086  }
0x1c: {  	p1 =	slt.u32 s9, $0xF7A;
	s5 =	simm.s32 @!p2 $0x0  }
0x1d: {  	s5 =	simm.s32 @p1 $0x1;
	p0 =	seq.s32 s7, s2  }
0x1e: {  	s7 =	smul.u32 @!p0 $0xF7A, s2;
	p2 =	seq.s32 @!p0 s5, $0x0  }
0x1f: {  	s9 =	smul.u32 $0xF7A, s1;
	s8 =	simm.s32 @!p0 $0x1BF5;
	p2 =	por !p2, p0  }
0x20: {  	[sflag:s8] =	ssyncset.s32 @!p0 $0xFFFFF086;
	s6 =	sadd.s32 @!p0 s3, s7;
	s7 =	simm.s32 @!p0 $0x108  }
0x21: {  	s3 =	sadd.s32 s3, s9;
	s6 =	sadd.s32 @!p0 $0x88, s6;
	s7 =	simm.s32 @p2 $0x1082  }
0x22: {  	[simem:s7], [sflag:s8] =	dma.local @!p0 [hbm:s6], $0xF7A  }
0x23: {  	s9 =	sor.u32 $0xD0000000, s2;
	s6 =	simm.s32 $0x108;
	_ =	swait.ge @!p0 [sflag:s8], $0x0  }
0x24: {  	s3 =	sadd.s32 $0x88, s3;
	s6 =	simm.s32 @!p1 $0x1082;
	[sflag:s4] =	ssyncset.s32 $0xFFFFF086  }
0x25: {  	[simem:s6], [sflag:s4] =	dma.local [hbm:s3], $0xF7A  }
0x26: {  	[smem:$0x3F95] =	sst s1;
	(tag) =	ssettag s2;
	_ =	strace s9  }
0x27: {  	s1 =	sld [smem:$0x3FA5]  }
0x28: {  	s2 =	sld [smem:$0x3FA6]  }
0x29: {  	s4 =	sld [smem:$0x3FA8]  }
0x2a: {  	p0 =	seq.s32 s5, $0x0;
	s5 =	sld [smem:$0x3FA9]  }
0x2b: {  	s6 =	sld [smem:$0x3FAA]  }
0x2c: {  	s7 =	sld [smem:$0x3FAB]  }
0x2d: {  	s3 =	simm.s32 $0x108;
	s8 =	sld [smem:$0x3FAC]  }
0x2e: {  	s3 =	simm.s32 @!p0 $0x1082;
	s9 =	sld [smem:$0x3FAD]  }
0x2f: {  	lr =	sadd.s32 s0, s3;
	s0 =	sld [smem:$0x3FA4]  }
0x30: {  	s3 =	sld [smem:$0x3FA7]  }
0x31: {  	[smem:$0x3FB0] =	sst s10  }
0x32: {  	s10 =	sld [smem:$0x3FAE];
	_ =	sdelay $0x3  }
0x33: {  	p0 =	seq.s32 s10, $0x1;
	s10 =	sld [smem:$0x3FB0];
	_ =	sdelay $0x3  }
0x34: {  	[smem:$0x3FB0] =	sst s10  }
0x35: {  	s10 =	sld [smem:$0x3FAF];
	_ =	sdelay $0x3  }
0x36: {  	p1 =	seq.s32 s10, $0x1;
	s10 =	sld [smem:$0x3FB0];
	_ =	sdelay $0x3  }
0x37: {  	[smem:$0x3FB0] =	sst s10  }
0x38: {  	s10 =	sld [smem:$0x3FB1]  }
0x39: {  	_ = 	snop;
	(pc) =	sbr.ind lr, $3  }
0x3a: {  	_ = 	snop  }
0x3b: {  	_ = 	snop  }
0x3c: {  	p2 =	seq.s32 s10, $0x1;
	s10 =	sld [smem:$0x3FB0]  }
0x3d: {  	_ =	shalt  }
0x3e: {  	_ =	shalt  }
0x3f: {  	_ =	shalt  }
0x40: {  	_ =	shalt  }
0x41: {  	_ =	shalt  }
0x42: {  	_ =	shalt  }
0x43: {  	_ =	shalt  }
0x44: {  	_ =	shalt  }
0x45: {  	_ =	shalt  }
0x46: {  	_ =	shalt  }
0x47: {  	_ =	shalt  }
0x48: {  	_ =	shalt  }
0x49: {  	_ =	shalt  }
0x4a: {  	_ =	shalt  }
0x4b: {  	_ =	shalt  }
0x4c: {  	_ =	shalt  }
0x4d: {  	_ =	shalt  }
0x4e: {  	_ =	shalt  }
0x4f: {  	_ =	shalt  }
0x50: {  	_ =	shalt  }
0x51: {  	_ =	shalt  }
0x52: {  	_ =	shalt  }
0x53: {  	_ =	shalt  }
0x54: {  	_ =	shalt  }
0x55: {  	_ =	shalt  }
0x56: {  	_ =	shalt  }
0x57: {  	_ =	shalt  }
0x58: {  	_ =	shalt  }
0x59: {  	_ =	shalt  }
0x5a: {  	_ =	shalt  }
0x5b: {  	_ =	shalt  }
0x5c: {  	_ =	shalt  }
0x5d: {  	_ =	shalt  }
0x5e: {  	_ =	shalt  }
0x5f: {  	_ =	shalt  }
0x60: {  	_ =	shalt  }
0x61: {  	_ =	shalt  }
0x62: {  	_ =	shalt  }
0x63: {  	_ =	shalt  }
0x64: {  	_ =	shalt  }
0x65: {  	_ =	shalt  }
0x66: {  	_ =	shalt  }
0x67: {  	_ =	shalt  }
0x68: {  	_ =	shalt  }
0x69: {  	_ =	shalt  }
0x6a: {  	_ =	shalt  }
0x6b: {  	_ =	shalt  }
0x6c: {  	_ =	shalt  }
0x6d: {  	_ =	shalt  }
0x6e: {  	_ =	shalt  }
0x6f: {  	_ =	shalt  }
0x70: {  	_ =	shalt  }
0x71: {  	_ =	shalt  }
0x72: {  	_ =	shalt  }
0x73: {  	_ =	shalt  }
0x74: {  	_ =	shalt  }
0x75: {  	_ =	shalt  }
0x76: {  	_ =	shalt  }
0x77: {  	_ =	shalt  }
0x78: {  	_ =	shalt  }
0x79: {  	_ =	shalt  }
0x7a: {  	_ =	shalt  }
0x7b: {  	_ =	shalt  }
0x7c: {  	_ =	shalt  }
0x7d: {  	_ =	shalt  }
0x7e: {  	_ =	shalt  }
0x7f: {  	_ =	shalt  }
0x80: {  	_ =	shalt  }
0x81: {  	_ =	shalt  }
0x82: {  	_ =	shalt  }
0x83: {  	_ =	shalt  }
0x84: {  	_ =	shalt  }
0x85: {  	_ =	shalt  }
0x86: {  	_ =	shalt  }
0x87: {  	_ =	shalt  }
.Lfunc_end0:
.L_simem_size_0:
called_computation_lowered:
.L_overlay_start_0:
0x88: {  	s2 =	sld [smem:$0x3FD9]  }
0x89: {  	s3 =	sld [smem:$0x3FFE];
	_ =	sdelay $0x1  }
0x8a: {  	s1 =	srdreg.scid  }
0x8b: {  	s0 =	sand.u32 $0x1, s1  }
0x8c: {  	s17 =	sshll.u32 s0, $0xA;
	s2 =	sadd.s32 s3, s2  }
0x8d: {  	s2 =	sadd.s32 s2, s17  }
0x8e: {  	[smem:$0x3FBC] =	sst s2  }
0x8f: {  	_ = 	snop  }
0x90: {  	s2 =	sld [smem:$0x3FD0];
	(tm) =	ssettm $0x1  }
0x91: {  	s18 =	sld [smem:$0x3FFB];
	_ =	sdelay $0x3  }
0x92: {  	_ =	strace s18  }
0x93: {  	s3 =	sld [smem:$0x3FFC];
	_ =	sdelay $0x3  }
0x94: {  	_ =	strace s3  }
0x95: {  	s3 =	sld [smem:$0x3FFD];
	_ =	sdelay $0x3  }
0x96: {  	_ =	strace s3  }
0x97: {  	_ =	strace $0x8FFFFFFF  }
0x98: {  	s19 =	sld [smem:$0x3FDB];
	_ =	sdelay $0x1  }
0x99: {  	s4 =	simm.s32 $_scs_section_size  }
0x9a: {  	s5 =	simm.s32 $_size__tile_overlayer_lowered;
	s6 =	simm.s32 $_tile_overlayer_lowered  }
0x9b: {  	s22 =	simm.s32 $0x1BFF;
	s21 =	sshll.u32 s6, $0x1;
	s3 =	sadd.s32 s4, s19  }
0x9c: {  	s7 =	simm.s32 $0x0;
	s20 =	sshll.u32 s5, $0x1;
	s5 =	sadd.s32 s21, s3  }
0x9d: {  	[timem:s7], [sflag:s22] =	dma.local [hbm:s5], s20  }
0x9e: {  	_ =	swait.ge [sflag:s22], s20  }
0x9f: {  	s4 =	ssub.s32 $0x0, s20;
	[sflag:s22] =	ssyncset.done $0x0  }
0xa0: {  	[sflag:s22] =	ssyncadd.s32 s4;
	_ =	sdelay $0x1  }
0xa1: {  	s23 =	simm.s32 $0x1B8B  }
0xa2: {  	_ =	swait.ge [sflag:s23], $0x1  }
0xa3: {  	[sflag:s23] =	ssyncset.done $0x0  }
0xa4: {  	s25 =	simm.s32 $0x1B8E;
	s24 =	sld [smem:$0x3FFE];
	[sflag:s23] =	ssyncadd.s32 $0xFFFFFFFF  }
0xa5: {  	s26 =	simm.s32 $execute0_lowered;
	[smem:$0x3FD2] =	sst s25  }
0xa6: {  	s5 =	sshll.u32 s26, $0x1;
	_ =	strace $0x80000046;
	[dreg:$0x1] =	wrdreg $0xFFFFFFFF  }
0xa7: {  	s28 =	simm.s32 $_size_execute0_lowered;
	s3 =	sadd.s32 s3, s5;
	[dreg:$0x0] =	wrdreg $0x0  }
0xa8: {  	s5 =	sshll.u32 s28, $0x1;
	[dreg:$0x2] =	wrdreg s3  }
0xa9: {  	[dreg:$0x3] =	wrdreg s5  }
0xaa: {  	[dreg:$0x4] =	wrdreg $0xC0  }
0xab: {  	_ =	task [dreg:s7], $0x5FFFF  }
0xac: {  	[dreg:$0x1] =	wrdreg $0xFFFFFFFF  }
0xad: {  	[dreg:$0x0] =	wrdreg $0x60  }
0xae: {  	[dreg:$0x2] =	wrdreg s24  }
0xaf: {  	[dreg:$0x3] =	wrdreg s2  }
0xb0: {  	[dreg:$0x4] =	wrdreg $0x40800  }
0xb1: {  	[dreg:$0x5] =	wrdreg $0x9  }
0xb2: {  	_ =	task.clear_ibuf [dreg:s7], $0x6FFFF;
	_ =	strace $0x90000046  }
0xb3: {  	s29 =	simm.s32 $0x9;
	_ =	strace $0x80000048  }
0xb4: {  	_ =	swait.ge [sflag:s29], $0x1  }
0xb5: {  	[sflag:s29] =	ssyncadd.s32 $0xFFFFFFFF  }
0xb6: {  	_ =	strace $0x90000048  }
0xb7: {  	_ =	sfence  }
0xb8: {  	s30 =	sld [smem:$0x0];
	_ =	sdelay $0x2  }
0xb9: {  	s31 =	sshll.u32 s1, $0xD;
	s1 =	sshrl.u32 s1, $0x2  }
0xba: {  	s3 =	sand.u32 $0x4000, s31;
	s1 =	sadd.s32 s1, s30  }
0xbb: {  	s0 =	sor.u32 s3, s0;
	s1 =	sshll.u32 s1, $0x11  }
0xbc: {  	s0 =	sor.u32 s1, s0  }
0xbd: {  	s0 =	sadd.s32 $0x8F2B, s0  }
0xbe: {  	[sflag:s0] =	ssyncadd.remote.s32 $0x1  }
0xbf: {  	_ =	sfence.sel $0xFFFF  }
0xc0: {  	[dreg:$0x0] =	wrdreg $0xFFFFFFFF;
	(pc) =	sbr.abs _section_cstart, $3  }
0xc1: {  	[dreg:$0x1] =	wrdreg $0xFFFFFFFF  }
0xc2: {  	_ =	task.clear_ibuf [dreg:s7], $0x2FFFF;
	_ =	strace $0x9FFFFFFF  }
0xc3: {  	(tm) =	ssettm $0x7FFFFFFF  }
tec
execute0_lowered:
.L_overlay_start_1:
0x0: {  	(tag) =	ssettag $0x1  }
0x1: {  	s5 =	rddreg [dreg:$0x0]  }
0x2: {  	s8 =	rddreg [dreg:$0x1]  }
0x3: {  	s2 =	rddreg [dreg:$0x2]  }
0x4: {  	s0 =	rddreg [dreg:$0x3];
	s3 =	simm.s32 $0x0  }
0x5: {  	s1 =	stileid.u32;
	s4 =	srdreg.scid;
	s14 =	simm.s32 $0x20  }
0x6: {  	s15 =	simm.s32 $0x10;
	s16 =	simm.s32 $0x0;
	[smem:$0x7FF] =	sst s3  }
0x7: {  	s6 =	sshll.u32 s1, $0xB;
	s7 =	sand.u32 $0x1, s4;
	s10 =	smul.u32 $0xA00, s1  }
0x8: {  	s4 =	sadd.s32 $0x13C00, s5;
	s31 =	smul.u32 $0x500, s1;
	s13 =	sshll.u32 s1, $0x6  }
0x9: {  	_ =	strace $0x80000047;
	s6 =	sadd.s32 s6, s5;
	s9 =	ssub.s32 $0x2, s7  }
0xa: {  	s5 =	sadd.s32 $0x13A00, s5;
	s12 =	sshll.u32 s7, $0xF;
	s7 =	sshll.u32 s7, $0x7  }
0xb: {  	s11 =	sshrl.u32 s9, $0x1;
	s10 =	sshrl.u32 s10, $0x2;
	s12 =	sadd.s32 s12, s6  }
0xc: {  	s6 =	sor.u32 $0x1C01, s13;
	s13 =	simm.s32 $0x50;
	s9 =	ssub.s32 s9, s11  }
0xd: {  	s10 =	sadd.s32 s10, s2;
	s11 =	sor.u32 s7, s31;
	s7 =	sadd.s32 $0x3A00, s12  }
0xe: {  	s12 =	simm.s32 $0x4000;
	s11 =	sshrl.u32 s11, $0x3;
	s9 =	smax.u32 s9, $0x1  }
0xf: {  	s10 =	sshrl.u32 s10, $0x3;
	s8 =	sadd.s32 s8, s11;
	s11 =	simm.s32 $0x1  }
.LBB2_1:
0x10: {  	[spmem:s10], [sflag:s6] =	dma.local [hbm:s5], $0x50  }
0x11: {  	_ =	swait.ge [sflag:s11], $0x50  }
0x12: {  	[sflag:s11] =	ssyncset.done $0x0  }
0x13: {  	[sflag:s11] =	ssyncadd.s32 $0xFFFFFFB0  }
0x14: {  	[tilespmem:s12], [sflag:$0x1] =	stream.linear.gather [hbm4b:s4+s3], $0x80, $0x38;
	[tilespmem:$0x4300] =	vst v63  }
0x15: {  	_ =	swait.ge [sflag:s11], $0x80  }
0x16: {  	[sflag:s11] =	ssyncset.done $0x0  }
0x17: {  	[sflag:s11] =	ssyncadd.s32 $0xFFFFFF80  }
0x18: {  	[tilespmem:s3], [sflag:$0x1] =	stream.linear.gather [hbm4b:s7+s3], $0x3E80, $0x38;
	[tilespmem:$0x4300] =	vst v63  }
0x19: {  	_ =	swait.ge [sflag:s11], $0x3E80  }
0x1a: {  	[sflag:s11] =	ssyncset.done $0x0  }
0x1b: {  	[sflag:s11] =	ssyncadd.s32 $0xFFFFC180  }
0x1c: {  	s17 =	simm.s32 $0x0;
	[bflag:$0x0] =	sbarrier.arrive $0xFFFF  }
0x1d: {  	[spmem:s2] =	stream.indirect.scatter.add.f32 [tilespmem:s12], [sflag:$0x1], $0x1, s17, s13, $0xb8;
	[tilespmem:$0x4300] =	vst v63  }
0x1e: {  	_ =	swait.ge [sflag:s11], $0x50  }
0x1f: {  	s17 =	simm.s32 $0x200;
	[sflag:s11] =	ssyncset.done $0x0  }
.LBB2_2:
0x20: {  	s18 =	sshra.s32 s17, $0x2;
	[sflag:s11] =	ssyncadd.s32 $0xFFFFFFB0;
	p0 =	sne.s32 s17, $0xF800  }
0x21: {  	[spmem:s2] =	stream.indirect.scatter.add.f32 [tilespmem:s12], [sflag:$0x1], $0x1, s18, s13, $0xb8;
	[tilespmem:$0x4300] =	vst v63  }
.Ltmp0:
0x22: {  	_ = 	snop;
	(pc) =	sbr.rel @p0 .LBB2_2-.Ltmp0, $4  }
0x23: {  	_ = 	snop  }
0x24: {  	s17 =	sadd.s32 $0x200, s17  }
0x25: {  	_ =	swait.ge [sflag:s11], $0x50  }
0x26: {  	[sflag:s11] =	ssyncset.done $0x0  }
0x27: {  	s16 =	sadd.s32 $0x1, s16  }
0x28: {  	[sflag:s11] =	ssyncadd.s32 $0xFFFFFFB0;
	p0 =	sne.s32 s16, s9  }
.Ltmp1:
0x29: {  	[bflag:$0x0] =	sbarrier.arrive $0xFFFF;
	(pc) =	sbr.rel @p0 .LBB2_1-.Ltmp1, $4  }
0x2a: {  	[hbm:s8@s14], [sflag:s6] =	dma.strided [spmem:s10@s15], $0x50, s11, $0x10   }
0x2b: {  	_ =	swait.ge [sflag:s11], $0x50  }
0x2c: {  	[sflag:s11] =	ssyncset.done $0x0  }
0x2d: {  	[sflag:s11] =	ssyncadd.s32 $0xFFFFFFB0  }
0x2e: {  	_ =	sfence.sel $0x180000  }
0x2f: {  	[bflag:$0x0] =	sbarrier.arrive $0xFFFF  }
0x30: {  	p0 =	sne.s32 s1, $0x0;
	_ =	strace $0x90000047  }
0x31: {  	s0 =	sadd.s32 @!p0 $0x100000, s0;
	[bflag:$0x2] =	sbarrier.arrive $0xFFFF  }
0x32: {  	[sflag:s0] =	ssyncadd.tile.s32 @!p0 $0x1;
	_ =	shalt  }
.Lfunc_end2:
_tile_overlayer_lowered:
.L_overlay_start_2:
0x33: {  	(tag) =	ssettag $0x2  }
0x34: {  	s0 =	rddreg [dreg:$0x0];
	s2 =	stileid.u32  }
0x35: {  	s1 =	rddreg [dreg:$0x1];
	p0 =	sne.s32 s2, $0x0  }
0x36: {  	s3 =	rddreg [dreg:$0x2];
	[bflag:$0x3] =	sbarrier.arrive $0xFFFF;
	s2 =	simm.s32 @!p0 $0x1C01  }
0x37: {  	[timem:s3], [sflag:s2] =	dma.local @!p0 [hbm:s0], s1  }
0x38: {  	s0 =	simm.s32 @!p0 $0x1  }
0x39: {  	_ =	swait.ge @!p0 [sflag:s0], s1  }
0x3a: {  	s1 =	ssub.s32 @!p0 $0x0, s1;
	[sflag:s0] =	ssyncset.done @!p0 $0x0  }
0x3b: {  	[sflag:s0] =	ssyncadd.s32 @!p0 s1  }
0x3c: {  	[bflag:$0x3] =	sbarrier.arrive $0xFFFF  }
0x3d: {  	_ =	shalt  }

// kernel: kernel.14.cloned.1.call-start
scs
__scs_entry_jumppad:
0x0: {  	(pc) =	sbr.rel $0x88, $3  }
0x1: {  	(tag) =	ssettag $0x0;
	lr =	simm.s32 $0x1  }
0x2: {  	[smem:$0x3F95] =	sst lr;
	_ =	strace $0xD0000000  }
0x3: {  	_ = 	snop  }
0x4: {  	_ = 	snop  }
0x5: {  	_ = 	snop  }
0x6: {  	_ = 	snop  }
0x7: {  	_ = 	snop  }
__scs_overlays_trampoline_lowered:
0x8: {  	[smem:$0x3FA4] =	sst s0  }
0x9: {  	[smem:$0x3FA5] =	sst s1  }
0xa: {  	[smem:$0x3FA6] =	sst s2  }
0xb: {  	[smem:$0x3FA7] =	sst s3  }
0xc: {  	[smem:$0x3FA8] =	sst s4  }
0xd: {  	[smem:$0x3FA9] =	sst s5  }
0xe: {  	[smem:$0x3FAA] =	sst s6  }
0xf: {  	[smem:$0x3FAB] =	sst s7  }
0x10: {  	[smem:$0x3FAC] =	sst s8  }
0x11: {  	[smem:$0x3FAD] =	sst s9;
	s0 =	simm.s32 @!p0 $0x0  }
0x12: {  	s1 =	sld [smem:$0x3F93];
	s0 =	simm.s32 @p0 $0x1  }
0x13: {  	[smem:$0x3FAE] =	sst s0;
	s0 =	simm.s32 @!p1 $0x0  }
0x14: {  	s2 =	sld [smem:$0x3F92];
	s0 =	simm.s32 @p1 $0x1  }
0x15: {  	[smem:$0x3FAF] =	sst s0;
	s0 =	simm.s32 @!p2 $0x0  }
0x16: {  	s3 =	sld [smem:$0x3FDB];
	s0 =	simm.s32 @p2 $0x1  }
0x17: {  	s4 =	simm.s32 $0x1BF5;
	[smem:$0x3FB1] =	sst s0  }
0x18: {  	s0 =	sld [smem:$0x3F94];
	_ =	swait.ge [sflag:s4], $0x0  }
0x19: {  	s7 =	sld [smem:$0x3F95]  }
0x1a: {  	s8 =	sadd.s32 $0xFFFFE003, lr  }
0x1b: {  	s9 =	sadd.s32 $0xFFFFFEF7, lr;
	s5 =	simm.s32 $0xFFFFFFFF;
	p2 =	slt.u32 s8, $0xFFFFF086  }
0x1c: {  	p1 =	slt.u32 s9, $0xF7A;
	s5 =	simm.s32 @!p2 $0x0  }
0x1d: {  	s5 =	simm.s32 @p1 $0x1;
	p0 =	seq.s32 s7, s2  }
0x1e: {  	s7 =	smul.u32 @!p0 $0xF7A, s2;
	p2 =	seq.s32 @!p0 s5, $0x0  }
0x1f: {  	s9 =	smul.u32 $0xF7A, s1;
	s8 =	simm.s32 @!p0 $0x1BF5;
	p2 =	por !p2, p0  }
0x20: {  	[sflag:s8] =	ssyncset.s32 @!p0 $0xFFFFF086;
	s6 =	sadd.s32 @!p0 s3, s7;
	s7 =	simm.s32 @!p0 $0x108  }
0x21: {  	s3 =	sadd.s32 s3, s9;
	s6 =	sadd.s32 @!p0 $0x88, s6;
	s7 =	simm.s32 @p2 $0x1082  }
0x22: {  	[simem:s7], [sflag:s8] =	dma.local @!p0 [hbm:s6], $0xF7A  }
0x23: {  	s9 =	sor.u32 $0xD0000000, s2;
	s6 =	simm.s32 $0x108;
	_ =	swait.ge @!p0 [sflag:s8], $0x0  }
0x24: {  	s3 =	sadd.s32 $0x88, s3;
	s6 =	simm.s32 @!p1 $0x1082;
	[sflag:s4] =	ssyncset.s32 $0xFFFFF086  }
0x25: {  	[simem:s6], [sflag:s4] =	dma.local [hbm:s3], $0xF7A  }
0x26: {  	[smem:$0x3F95] =	sst s1;
	(tag) =	ssettag s2;
	_ =	strace s9  }
0x27: {  	s1 =	sld [smem:$0x3FA5]  }
0x28: {  	s2 =	sld [smem:$0x3FA6]  }
0x29: {  	s4 =	sld [smem:$0x3FA8]  }
0x2a: {  	p0 =	seq.s32 s5, $0x0;
	s5 =	sld [smem:$0x3FA9]  }
0x2b: {  	s6 =	sld [smem:$0x3FAA]  }
0x2c: {  	s7 =	sld [smem:$0x3FAB]  }
0x2d: {  	s3 =	simm.s32 $0x108;
	s8 =	sld [smem:$0x3FAC]  }
0x2e: {  	s3 =	simm.s32 @!p0 $0x1082;
	s9 =	sld [smem:$0x3FAD]  }
0x2f: {  	lr =	sadd.s32 s0, s3;
	s0 =	sld [smem:$0x3FA4]  }
0x30: {  	s3 =	sld [smem:$0x3FA7]  }
0x31: {  	[smem:$0x3FB0] =	sst s10  }
0x32: {  	s10 =	sld [smem:$0x3FAE];
	_ =	sdelay $0x3  }
0x33: {  	p0 =	seq.s32 s10, $0x1;
	s10 =	sld [smem:$0x3FB0];
	_ =	sdelay $0x3  }
0x34: {  	[smem:$0x3FB0] =	sst s10  }
0x35: {  	s10 =	sld [smem:$0x3FAF];
	_ =	sdelay $0x3  }
0x36: {  	p1 =	seq.s32 s10, $0x1;
	s10 =	sld [smem:$0x3FB0];
	_ =	sdelay $0x3  }
0x37: {  	[smem:$0x3FB0] =	sst s10  }
0x38: {  	s10 =	sld [smem:$0x3FB1]  }
0x39: {  	_ = 	snop;
	(pc) =	sbr.ind lr, $3  }
0x3a: {  	_ = 	snop  }
0x3b: {  	_ = 	snop  }
0x3c: {  	p2 =	seq.s32 s10, $0x1;
	s10 =	sld [smem:$0x3FB0]  }
0x3d: {  	_ =	shalt  }
0x3e: {  	_ =	shalt  }
0x3f: {  	_ =	shalt  }
0x40: {  	_ =	shalt  }
0x41: {  	_ =	shalt  }
0x42: {  	_ =	shalt  }
0x43: {  	_ =	shalt  }
0x44: {  	_ =	shalt  }
0x45: {  	_ =	shalt  }
0x46: {  	_ =	shalt  }
0x47: {  	_ =	shalt  }
0x48: {  	_ =	shalt  }
0x49: {  	_ =	shalt  }
0x4a: {  	_ =	shalt  }
0x4b: {  	_ =	shalt  }
0x4c: {  	_ =	shalt  }
0x4d: {  	_ =	shalt  }
0x4e: {  	_ =	shalt  }
0x4f: {  	_ =	shalt  }
0x50: {  	_ =	shalt  }
0x51: {  	_ =	shalt  }
0x52: {  	_ =	shalt  }
0x53: {  	_ =	shalt  }
0x54: {  	_ =	shalt  }
0x55: {  	_ =	shalt  }
0x56: {  	_ =	shalt  }
0x57: {  	_ =	shalt  }
0x58: {  	_ =	shalt  }
0x59: {  	_ =	shalt  }
0x5a: {  	_ =	shalt  }
0x5b: {  	_ =	shalt  }
0x5c: {  	_ =	shalt  }
0x5d: {  	_ =	shalt  }
0x5e: {  	_ =	shalt  }
0x5f: {  	_ =	shalt  }
0x60: {  	_ =	shalt  }
0x61: {  	_ =	shalt  }
0x62: {  	_ =	shalt  }
0x63: {  	_ =	shalt  }
0x64: {  	_ =	shalt  }
0x65: {  	_ =	shalt  }
0x66: {  	_ =	shalt  }
0x67: {  	_ =	shalt  }
0x68: {  	_ =	shalt  }
0x69: {  	_ =	shalt  }
0x6a: {  	_ =	shalt  }
0x6b: {  	_ =	shalt  }
0x6c: {  	_ =	shalt  }
0x6d: {  	_ =	shalt  }
0x6e: {  	_ =	shalt  }
0x6f: {  	_ =	shalt  }
0x70: {  	_ =	shalt  }
0x71: {  	_ =	shalt  }
0x72: {  	_ =	shalt  }
0x73: {  	_ =	shalt  }
0x74: {  	_ =	shalt  }
0x75: {  	_ =	shalt  }
0x76: {  	_ =	shalt  }
0x77: {  	_ =	shalt  }
0x78: {  	_ =	shalt  }
0x79: {  	_ =	shalt  }
0x7a: {  	_ =	shalt  }
0x7b: {  	_ =	shalt  }
0x7c: {  	_ =	shalt  }
0x7d: {  	_ =	shalt  }
0x7e: {  	_ =	shalt  }
0x7f: {  	_ =	shalt  }
0x80: {  	_ =	shalt  }
0x81: {  	_ =	shalt  }
0x82: {  	_ =	shalt  }
0x83: {  	_ =	shalt  }
0x84: {  	_ =	shalt  }
0x85: {  	_ =	shalt  }
0x86: {  	_ =	shalt  }
0x87: {  	_ =	shalt  }
.Lfunc_end0:
.L_simem_size_0:
called_computation.1_lowered:
.L_overlay_start_0:
0x88: {  	s2 =	sld [smem:$0x3FD9]  }
0x89: {  	s3 =	sld [smem:$0x3FFE];
	_ =	sdelay $0x1  }
0x8a: {  	s1 =	srdreg.scid  }
0x8b: {  	s0 =	sand.u32 $0x1, s1  }
0x8c: {  	s17 =	sshll.u32 s0, $0xA;
	s2 =	sadd.s32 s3, s2  }
0x8d: {  	s2 =	sadd.s32 s2, s17  }
0x8e: {  	[smem:$0x3FBC] =	sst s2  }
0x8f: {  	_ = 	snop  }
0x90: {  	s2 =	sld [smem:$0x3FD0];
	(tm) =	ssettm $0x1  }
0x91: {  	s18 =	sld [smem:$0x3FFB];
	_ =	sdelay $0x3  }
0x92: {  	_ =	strace s18  }
0x93: {  	s3 =	sld [smem:$0x3FFC];
	_ =	sdelay $0x3  }
0x94: {  	_ =	strace s3  }
0x95: {  	s3 =	sld [smem:$0x3FFD];
	_ =	sdelay $0x3  }
0x96: {  	_ =	strace s3  }
0x97: {  	_ =	strace $0x8FFFFFFF  }
0x98: {  	s19 =	sld [smem:$0x3FDB];
	_ =	sdelay $0x1  }
0x99: {  	s4 =	simm.s32 $_scs_section_size  }
0x9a: {  	s5 =	simm.s32 $_size__tile_overlayer_lowered;
	s6 =	simm.s32 $_tile_overlayer_lowered  }
0x9b: {  	s22 =	simm.s32 $0x1BFF;
	s21 =	sshll.u32 s6, $0x1;
	s3 =	sadd.s32 s4, s19  }
0x9c: {  	s7 =	simm.s32 $0x0;
	s20 =	sshll.u32 s5, $0x1;
	s5 =	sadd.s32 s21, s3  }
0x9d: {  	[timem:s7], [sflag:s22] =	dma.local [hbm:s5], s20  }
0x9e: {  	_ =	swait.ge [sflag:s22], s20  }
0x9f: {  	s4 =	ssub.s32 $0x0, s20;
	[sflag:s22] =	ssyncset.done $0x0  }
0xa0: {  	[sflag:s22] =	ssyncadd.s32 s4;
	_ =	sdelay $0x1  }
0xa1: {  	s23 =	simm.s32 $0x1B8B  }
0xa2: {  	_ =	swait.ge [sflag:s23], $0x1  }
0xa3: {  	[sflag:s23] =	ssyncset.done $0x0  }
0xa4: {  	s25 =	simm.s32 $0x1B8E;
	s24 =	sld [smem:$0x3FFE];
	[sflag:s23] =	ssyncadd.s32 $0xFFFFFFFF  }
0xa5: {  	s26 =	simm.s32 $execute0_lowered;
	[smem:$0x3FD2] =	sst s25  }
0xa6: {  	s5 =	sshll.u32 s26, $0x1;
	_ =	strace $0x80000049;
	[dreg:$0x1] =	wrdreg $0xFFFFFFFF  }
0xa7: {  	s28 =	simm.s32 $_size_execute0_lowered;
	s3 =	sadd.s32 s3, s5;
	[dreg:$0x0] =	wrdreg $0x0  }
0xa8: {  	s5 =	sshll.u32 s28, $0x1;
	[dreg:$0x2] =	wrdreg s3  }
0xa9: {  	[dreg:$0x3] =	wrdreg s5  }
0xaa: {  	[dreg:$0x4] =	wrdreg $0xC0  }
0xab: {  	_ =	task [dreg:s7], $0x5FFFF  }
0xac: {  	[dreg:$0x1] =	wrdreg $0xFFFFFFFF  }
0xad: {  	[dreg:$0x0] =	wrdreg $0x60  }
0xae: {  	[dreg:$0x2] =	wrdreg s24  }
0xaf: {  	[dreg:$0x3] =	wrdreg s2  }
0xb0: {  	[dreg:$0x4] =	wrdreg $0x91000  }
0xb1: {  	[dreg:$0x5] =	wrdreg $0x9  }
0xb2: {  	_ =	task.clear_ibuf [dreg:s7], $0x6FFFF;
	_ =	strace $0x90000049  }
0xb3: {  	s29 =	simm.s32 $0x9;
	_ =	strace $0x8000004B  }
0xb4: {  	_ =	swait.ge [sflag:s29], $0x1  }
0xb5: {  	[sflag:s29] =	ssyncadd.s32 $0xFFFFFFFF  }
0xb6: {  	_ =	strace $0x9000004B  }
0xb7: {  	_ =	sfence  }
0xb8: {  	s30 =	sld [smem:$0x0];
	_ =	sdelay $0x2  }
0xb9: {  	s31 =	sshll.u32 s1, $0xD;
	s1 =	sshrl.u32 s1, $0x2  }
0xba: {  	s3 =	sand.u32 $0x4000, s31;
	s1 =	sadd.s32 s1, s30  }
0xbb: {  	s0 =	sor.u32 s3, s0;
	s1 =	sshll.u32 s1, $0x11  }
0xbc: {  	s0 =	sor.u32 s1, s0  }
0xbd: {  	s0 =	sadd.s32 $0x8F2B, s0  }
0xbe: {  	[sflag:s0] =	ssyncadd.remote.s32 $0x1  }
0xbf: {  	_ =	sfence.sel $0xFFFF  }
0xc0: {  	[dreg:$0x0] =	wrdreg $0xFFFFFFFF;
	(pc) =	sbr.abs _section_cstart, $3  }
0xc1: {  	[dreg:$0x1] =	wrdreg $0xFFFFFFFF  }
0xc2: {  	_ =	task.clear_ibuf [dreg:s7], $0x2FFFF;
	_ =	strace $0x9FFFFFFF  }
0xc3: {  	(tm) =	ssettm $0x7FFFFFFF  }
tec
execute0_lowered:
.L_overlay_start_1:
0x0: {  	(tag) =	ssettag $0x1  }
0x1: {  	s8 =	rddreg [dreg:$0x0]  }
0x2: {  	s1 =	rddreg [dreg:$0x1]  }
0x3: {  	s2 =	rddreg [dreg:$0x2]  }
0x4: {  	s0 =	rddreg [dreg:$0x3];
	s4 =	simm.s32 $0x0;
	s3 =	srdreg.scid  }
0x5: {  	s17 =	simm.s32 $0x4100;
	s18 =	simm.s32 $0x80;
	s19 =	simm.s32 $0x6900  }
0x6: {  	s20 =	simm.s32 $0x1;
	s21 =	simm.s32 $0x2;
	s22 =	simm.s32 $0x3F00  }
0x7: {  	s23 =	simm.s32 $0x0;
	[smem:$0x7FF] =	sst s4;
	s9 =	sand.u32 $0x1, s3  }
0x8: {  	s3 =	stileid.u32;
	s5 =	sadd.s32 $0x23E00, s8;
	s10 =	smul.u32 $0x140000, s9  }
0x9: {  	s6 =	sadd.s32 $0x13E00, s8;
	_ =	strace $0x8000004A;
	s11 =	smul.u32 $0x14000, s3  }
0xa: {  	s7 =	sshll.u32 s9, $0x12;
	s12 =	sshll.u32 s3, $0xE;
	s28 =	smul.u32 $0x50000, s3  }
0xb: {  	s29 =	ssub.s32 $0x2, s9;
	s31 =	sshll.u32 s3, $0x6;
	s7 =	sor.u32 s12, s7  }
0xc: {  	s9 =	sshrl.u32 s29, $0x1;
	s10 =	sadd.s32 s11, s10;
	s26 =	sshrl.u32 s7, $0x3  }
0xd: {  	s30 =	sshrl.u32 s28, $0x2;
	s15 =	ssub.s32 s29, s9;
	s10 =	sshrl.u32 s10, $0x3  }
0xe: {  	s13 =	sadd.s32 s26, s8;
	s16 =	sadd.s32 s30, s2;
	s12 =	smax.u32 s15, $0x1  }
0xf: {  	s15 =	simm.s32 $0x3;
	s14 =	sadd.s32 s10, s8;
	s8 =	sor.u32 $0x1C03, s31  }
0x10: {  	s9 =	sadd.s32 $0x3A00, s13;
	s10 =	sadd.s32 s26, s6;
	s11 =	sadd.s32 $0x4B000, s14  }
0x11: {  	s13 =	sadd.s32 $0x10, s10;
	s14 =	sshrl.u32 s16, $0x3;
	s16 =	simm.s32 $0x50  }
.LBB2_1:
0x12: {  	[spmem:s14], [sflag:s8] =	dma.local [hbm:s1], $0x2800  }
0x13: {  	_ =	swait.ge [sflag:s15], $0x2800  }
0x14: {  	[sflag:s15] =	ssyncset.done $0x0  }
0x15: {  	s24 =	simm.s32 $0x100;
	[sflag:s15] =	ssyncadd.s32 $0xFFFFD800  }
0x16: {  	[tilespmem:s24], [sflag:$0x3] =	stream.linear.gather [hbm4b:s9+s4], $0x3E80, $0x38;
	[tilespmem:$0x1D100] =	vst v63  }
0x17: {  	_ =	swait.ge [sflag:s15], $0x3E80  }
0x18: {  	[sflag:s15] =	ssyncset.done $0x0  }
0x19: {  	[sflag:s15] =	ssyncadd.s32 $0xFFFFC180  }
0x1a: {  	[bflag:$0x0] =	sbarrier.arrive $0xFFFF  }
0x1b: {  	[tilespmem:s4], [sflag:$0x3] =	stream.linear.gather [hbm4b:s10+s4], $0x80, $0x38;
	[tilespmem:$0x1D100] =	vst v63  }
0x1c: {  	_ =	swait.ge [sflag:s15], $0x80  }
0x1d: {  	[sflag:s15] =	ssyncset.done $0x0  }
0x1e: {  	[sflag:s15] =	ssyncadd.s32 $0xFFFFFF80  }
0x1f: {  	[tilespmem:s17], [sflag:$0x1] =	stream.indirect.gather [hbm4b:s5+s16], $0x80, s4, s16, $0xb8;
	[tilespmem:$0x1D100] =	vst v63  }
0x20: {  	_ = 	snop  }
0x21: {  	[tilespmem:s18], [sflag:$0x3] =	stream.linear.gather [hbm4b:s13+s4], $0x80, $0x38;
	[tilespmem:$0x1D100] =	vst v63  }
0x22: {  	_ =	swait.ge [sflag:s15], $0x80  }
0x23: {  	s25 =	sand.u32 $0x7C00, s24;
	[sflag:s15] =	ssyncset.done $0x0  }
0x24: {  	s25 =	sadd.s32 s7, s25;
	s24 =	sand.u32 $0x300, s24;
	[sflag:s15] =	ssyncadd.s32 $0xFFFFFF80  }
0x25: {  	[tilespmem:s19], [sflag:$0x2] =	stream.indirect.gather [hbm4b:s5+s16], $0x80, s18, s16, $0xb8;
	[tilespmem:$0x1D100] =	vst v63  }
0x26: {  	s24 =	sor.u32 s24, s25;
	_ =	swait.ge [sflag:s20], $0x2800  }
0x27: {  	s24 =	sshrl.u32 s24, $0x3;
	[sflag:s20] =	ssyncset.done $0x0  }
0x28: {  	s24 =	sadd.s32 s6, s24;
	[sflag:s20] =	ssyncadd.s32 $0xFFFFD800  }
0x29: {  	[tilespmem:s4], [sflag:$0x3] =	stream.linear.gather [hbm4b:s24+s4], $0x80, $0x38;
	[tilespmem:$0x1D100] =	vst v63  }
0x2a: {  	_ =	swait.ge [sflag:s15], $0x80  }
0x2b: {  	[sflag:s15] =	ssyncset.done $0x0  }
0x2c: {  	[sflag:s15] =	ssyncadd.s32 $0xFFFFFF80  }
0x2d: {  	[tilespmem:s17], [sflag:$0x1] =	stream.indirect.gather [hbm4b:s5+s16], $0x80, s4, s16, $0xb8;
	[tilespmem:$0x1D100] =	vst v63  }
0x2e: {  	s25 =	smov.u32 s13;
	s24 =	simm.s32 $0x200;
	_ =	swait.ge [sflag:s21], $0x2800  }
.LBB2_2:
0x2f: {  	p0 =	sne.s32 s24, $0x3E00;
	[sflag:s21] =	ssyncset.done $0x0;
	s25 =	sadd.s32 $0x20, s25  }
0x30: {  	s26 =	smov.u32 s24;
	s24 =	sadd.s32 $0x100, s24;
	[sflag:s21] =	ssyncadd.s32 $0xFFFFD800  }
0x31: {  	[tilespmem:s18], [sflag:$0x3] =	stream.linear.gather [hbm4b:s25+s4], $0x80, $0x38;
	[tilespmem:$0x1D100] =	vst v63  }
0x32: {  	_ =	swait.ge [sflag:s15], $0x80  }
0x33: {  	s28 =	sand.u32 $0x7C00, s26;
	[sflag:s15] =	ssyncset.done $0x0  }
0x34: {  	s26 =	sand.u32 $0x300, s26;
	s28 =	sadd.s32 s7, s28;
	[sflag:s15] =	ssyncadd.s32 $0xFFFFFF80  }
0x35: {  	[tilespmem:s19], [sflag:$0x2] =	stream.indirect.gather [hbm4b:s5+s16], $0x80, s18, s16, $0xb8;
	[tilespmem:$0x1D100] =	vst v63  }
0x36: {  	s26 =	sor.u32 s26, s28;
	_ =	swait.ge [sflag:s20], $0x2800  }
0x37: {  	s26 =	sshrl.u32 s26, $0x3;
	[sflag:s20] =	ssyncset.done $0x0  }
0x38: {  	s26 =	sadd.s32 s6, s26;
	[sflag:s20] =	ssyncadd.s32 $0xFFFFD800  }
0x39: {  	[tilespmem:s4], [sflag:$0x3] =	stream.linear.gather [hbm4b:s26+s4], $0x80, $0x38;
	[tilespmem:$0x1D100] =	vst v63  }
.Ltmp0:
0x3a: {  	_ =	swait.ge [sflag:s15], $0x80;
	(pc) =	sbr.rel @p0 .LBB2_2-.Ltmp0, $4  }
0x3b: {  	[sflag:s15] =	ssyncset.done $0x0  }
0x3c: {  	[sflag:s15] =	ssyncadd.s32 $0xFFFFFF80  }
0x3d: {  	[tilespmem:s17], [sflag:$0x1] =	stream.indirect.gather [hbm4b:s5+s16], $0x80, s4, s16, $0xb8;
	[tilespmem:$0x1D100] =	vst v63  }
0x3e: {  	_ =	swait.ge [sflag:s21], $0x2800  }
0x3f: {  	[sflag:s21] =	ssyncset.done $0x0  }
0x40: {  	[sflag:s21] =	ssyncadd.s32 $0xFFFFD800  }
0x41: {  	_ =	swait.ge [sflag:s20], $0x2800  }
0x42: {  	[sflag:s20] =	ssyncset.done $0x0  }
0x43: {  	[sflag:s20] =	ssyncadd.s32 $0xFFFFD800  }
0x44: {  	[spmem:s2] =	stream.indirect.scatter.add.f32 [tilespmem:s17], [sflag:$0x3], $0x80, s22, s16, $0xb8;
	[tilespmem:$0x1D100] =	vst v63  }
0x45: {  	_ =	swait.ge [sflag:s15], $0x2800  }
0x46: {  	s23 =	sadd.s32 $0x1, s23;
	[sflag:s15] =	ssyncset.done $0x0  }
0x47: {  	p0 =	sne.s32 s23, s12;
	[sflag:s15] =	ssyncadd.s32 $0xFFFFD800  }
.Ltmp1:
0x48: {  	[bflag:$0x0] =	sbarrier.arrive $0xFFFF;
	(pc) =	sbr.rel @p0 .LBB2_1-.Ltmp1, $4  }
0x49: {  	[hbm:s11], [sflag:s8] =	dma.local [spmem:s14], $0x2800  }
0x4a: {  	_ =	swait.ge [sflag:s15], $0x2800  }
0x4b: {  	[sflag:s15] =	ssyncset.done $0x0  }
0x4c: {  	[sflag:s15] =	ssyncadd.s32 $0xFFFFD800  }
0x4d: {  	_ =	sfence.sel $0x180000  }
0x4e: {  	[bflag:$0x0] =	sbarrier.arrive $0xFFFF  }
0x4f: {  	p0 =	sne.s32 s3, $0x0;
	_ =	strace $0x9000004A  }
0x50: {  	s0 =	sadd.s32 @!p0 $0x100000, s0;
	[bflag:$0x2] =	sbarrier.arrive $0xFFFF  }
0x51: {  	[sflag:s0] =	ssyncadd.tile.s32 @!p0 $0x1;
	_ =	shalt  }
.Lfunc_end2:
_tile_overlayer_lowered:
.L_overlay_start_2:
0x52: {  	(tag) =	ssettag $0x2  }
0x53: {  	s0 =	rddreg [dreg:$0x0];
	s2 =	stileid.u32  }
0x54: {  	s1 =	rddreg [dreg:$0x1];
	p0 =	sne.s32 s2, $0x0  }
0x55: {  	s3 =	rddreg [dreg:$0x2];
	[bflag:$0x3] =	sbarrier.arrive $0xFFFF;
	s2 =	simm.s32 @!p0 $0x1C03  }
0x56: {  	[timem:s3], [sflag:s2] =	dma.local @!p0 [hbm:s0], s1  }
0x57: {  	s0 =	simm.s32 @!p0 $0x3  }
0x58: {  	_ =	swait.ge @!p0 [sflag:s0], s1  }
0x59: {  	s1 =	ssub.s32 @!p0 $0x0, s1;
	[sflag:s0] =	ssyncset.done @!p0 $0x0  }
0x5a: {  	[sflag:s0] =	ssyncadd.s32 @!p0 s1  }
0x5b: {  	[bflag:$0x3] =	sbarrier.arrive $0xFFFF  }
0x5c: {  	_ =	shalt  }

// kernel: kernel.17.cloned.1.call-start
scs
__scs_entry_jumppad:
0x0: {  	(pc) =	sbr.rel $0x88, $3  }
0x1: {  	(tag) =	ssettag $0x0;
	lr =	simm.s32 $0x1  }
0x2: {  	[smem:$0x3F95] =	sst lr;
	_ =	strace $0xD0000000  }
0x3: {  	_ = 	snop  }
0x4: {  	_ = 	snop  }
0x5: {  	_ = 	snop  }
0x6: {  	_ = 	snop  }
0x7: {  	_ = 	snop  }
__scs_overlays_trampoline_lowered:
0x8: {  	[smem:$0x3FA4] =	sst s0  }
0x9: {  	[smem:$0x3FA5] =	sst s1  }
0xa: {  	[smem:$0x3FA6] =	sst s2  }
0xb: {  	[smem:$0x3FA7] =	sst s3  }
0xc: {  	[smem:$0x3FA8] =	sst s4  }
0xd: {  	[smem:$0x3FA9] =	sst s5  }
0xe: {  	[smem:$0x3FAA] =	sst s6  }
0xf: {  	[smem:$0x3FAB] =	sst s7  }
0x10: {  	[smem:$0x3FAC] =	sst s8  }
0x11: {  	[smem:$0x3FAD] =	sst s9;
	s0 =	simm.s32 @!p0 $0x0  }
0x12: {  	s1 =	sld [smem:$0x3F93];
	s0 =	simm.s32 @p0 $0x1  }
0x13: {  	[smem:$0x3FAE] =	sst s0;
	s0 =	simm.s32 @!p1 $0x0  }
0x14: {  	s2 =	sld [smem:$0x3F92];
	s0 =	simm.s32 @p1 $0x1  }
0x15: {  	[smem:$0x3FAF] =	sst s0;
	s0 =	simm.s32 @!p2 $0x0  }
0x16: {  	s3 =	sld [smem:$0x3FDB];
	s0 =	simm.s32 @p2 $0x1  }
0x17: {  	s4 =	simm.s32 $0x1BF5;
	[smem:$0x3FB1] =	sst s0  }
0x18: {  	s0 =	sld [smem:$0x3F94];
	_ =	swait.ge [sflag:s4], $0x0  }
0x19: {  	s7 =	sld [smem:$0x3F95]  }
0x1a: {  	s8 =	sadd.s32 $0xFFFFE003, lr  }
0x1b: {  	s9 =	sadd.s32 $0xFFFFFEF7, lr;
	s5 =	simm.s32 $0xFFFFFFFF;
	p2 =	slt.u32 s8, $0xFFFFF086  }
0x1c: {  	p1 =	slt.u32 s9, $0xF7A;
	s5 =	simm.s32 @!p2 $0x0  }
0x1d: {  	s5 =	simm.s32 @p1 $0x1;
	p0 =	seq.s32 s7, s2  }
0x1e: {  	s7 =	smul.u32 @!p0 $0xF7A, s2;
	p2 =	seq.s32 @!p0 s5, $0x0  }
0x1f: {  	s9 =	smul.u32 $0xF7A, s1;
	s8 =	simm.s32 @!p0 $0x1BF5;
	p2 =	por !p2, p0  }
0x20: {  	[sflag:s8] =	ssyncset.s32 @!p0 $0xFFFFF086;
	s6 =	sadd.s32 @!p0 s3, s7;
	s7 =	simm.s32 @!p0 $0x108  }
0x21: {  	s3 =	sadd.s32 s3, s9;
	s6 =	sadd.s32 @!p0 $0x88, s6;
	s7 =	simm.s32 @p2 $0x1082  }
0x22: {  	[simem:s7], [sflag:s8] =	dma.local @!p0 [hbm:s6], $0xF7A  }
0x23: {  	s9 =	sor.u32 $0xD0000000, s2;
	s6 =	simm.s32 $0x108;
	_ =	swait.ge @!p0 [sflag:s8], $0x0  }
0x24: {  	s3 =	sadd.s32 $0x88, s3;
	s6 =	simm.s32 @!p1 $0x1082;
	[sflag:s4] =	ssyncset.s32 $0xFFFFF086  }
0x25: {  	[simem:s6], [sflag:s4] =	dma.local [hbm:s3], $0xF7A  }
0x26: {  	[smem:$0x3F95] =	sst s1;
	(tag) =	ssettag s2;
	_ =	strace s9  }
0x27: {  	s1 =	sld [smem:$0x3FA5]  }
0x28: {  	s2 =	sld [smem:$0x3FA6]  }
0x29: {  	s4 =	sld [smem:$0x3FA8]  }
0x2a: {  	p0 =	seq.s32 s5, $0x0;
	s5 =	sld [smem:$0x3FA9]  }
0x2b: {  	s6 =	sld [smem:$0x3FAA]  }
0x2c: {  	s7 =	sld [smem:$0x3FAB]  }
0x2d: {  	s3 =	simm.s32 $0x108;
	s8 =	sld [smem:$0x3FAC]  }
0x2e: {  	s3 =	simm.s32 @!p0 $0x1082;
	s9 =	sld [smem:$0x3FAD]  }
0x2f: {  	lr =	sadd.s32 s0, s3;
	s0 =	sld [smem:$0x3FA4]  }
0x30: {  	s3 =	sld [smem:$0x3FA7]  }
0x31: {  	[smem:$0x3FB0] =	sst s10  }
0x32: {  	s10 =	sld [smem:$0x3FAE];
	_ =	sdelay $0x3  }
0x33: {  	p0 =	seq.s32 s10, $0x1;
	s10 =	sld [smem:$0x3FB0];
	_ =	sdelay $0x3  }
0x34: {  	[smem:$0x3FB0] =	sst s10  }
0x35: {  	s10 =	sld [smem:$0x3FAF];
	_ =	sdelay $0x3  }
0x36: {  	p1 =	seq.s32 s10, $0x1;
	s10 =	sld [smem:$0x3FB0];
	_ =	sdelay $0x3  }
0x37: {  	[smem:$0x3FB0] =	sst s10  }
0x38: {  	s10 =	sld [smem:$0x3FB1]  }
0x39: {  	_ = 	snop;
	(pc) =	sbr.ind lr, $3  }
0x3a: {  	_ = 	snop  }
0x3b: {  	_ = 	snop  }
0x3c: {  	p2 =	seq.s32 s10, $0x1;
	s10 =	sld [smem:$0x3FB0]  }
0x3d: {  	_ =	shalt  }
0x3e: {  	_ =	shalt  }
0x3f: {  	_ =	shalt  }
0x40: {  	_ =	shalt  }
0x41: {  	_ =	shalt  }
0x42: {  	_ =	shalt  }
0x43: {  	_ =	shalt  }
0x44: {  	_ =	shalt  }
0x45: {  	_ =	shalt  }
0x46: {  	_ =	shalt  }
0x47: {  	_ =	shalt  }
0x48: {  	_ =	shalt  }
0x49: {  	_ =	shalt  }
0x4a: {  	_ =	shalt  }
0x4b: {  	_ =	shalt  }
0x4c: {  	_ =	shalt  }
0x4d: {  	_ =	shalt  }
0x4e: {  	_ =	shalt  }
0x4f: {  	_ =	shalt  }
0x50: {  	_ =	shalt  }
0x51: {  	_ =	shalt  }
0x52: {  	_ =	shalt  }
0x53: {  	_ =	shalt  }
0x54: {  	_ =	shalt  }
0x55: {  	_ =	shalt  }
0x56: {  	_ =	shalt  }
0x57: {  	_ =	shalt  }
0x58: {  	_ =	shalt  }
0x59: {  	_ =	shalt  }
0x5a: {  	_ =	shalt  }
0x5b: {  	_ =	shalt  }
0x5c: {  	_ =	shalt  }
0x5d: {  	_ =	shalt  }
0x5e: {  	_ =	shalt  }
0x5f: {  	_ =	shalt  }
0x60: {  	_ =	shalt  }
0x61: {  	_ =	shalt  }
0x62: {  	_ =	shalt  }
0x63: {  	_ =	shalt  }
0x64: {  	_ =	shalt  }
0x65: {  	_ =	shalt  }
0x66: {  	_ =	shalt  }
0x67: {  	_ =	shalt  }
0x68: {  	_ =	shalt  }
0x69: {  	_ =	shalt  }
0x6a: {  	_ =	shalt  }
0x6b: {  	_ =	shalt  }
0x6c: {  	_ =	shalt  }
0x6d: {  	_ =	shalt  }
0x6e: {  	_ =	shalt  }
0x6f: {  	_ =	shalt  }
0x70: {  	_ =	shalt  }
0x71: {  	_ =	shalt  }
0x72: {  	_ =	shalt  }
0x73: {  	_ =	shalt  }
0x74: {  	_ =	shalt  }
0x75: {  	_ =	shalt  }
0x76: {  	_ =	shalt  }
0x77: {  	_ =	shalt  }
0x78: {  	_ =	shalt  }
0x79: {  	_ =	shalt  }
0x7a: {  	_ =	shalt  }
0x7b: {  	_ =	shalt  }
0x7c: {  	_ =	shalt  }
0x7d: {  	_ =	shalt  }
0x7e: {  	_ =	shalt  }
0x7f: {  	_ =	shalt  }
0x80: {  	_ =	shalt  }
0x81: {  	_ =	shalt  }
0x82: {  	_ =	shalt  }
0x83: {  	_ =	shalt  }
0x84: {  	_ =	shalt  }
0x85: {  	_ =	shalt  }
0x86: {  	_ =	shalt  }
0x87: {  	_ =	shalt  }
.Lfunc_end0:
.L_simem_size_0:
called_computation.2_lowered:
.L_overlay_start_0:
0x88: {  	s2 =	sld [smem:$0x3FD9]  }
0x89: {  	s3 =	sld [smem:$0x3FFE];
	_ =	sdelay $0x1  }
0x8a: {  	s1 =	srdreg.scid  }
0x8b: {  	s0 =	sand.u32 $0x1, s1  }
0x8c: {  	s17 =	sshll.u32 s0, $0xA;
	s2 =	sadd.s32 s3, s2  }
0x8d: {  	s2 =	sadd.s32 s2, s17  }
0x8e: {  	[smem:$0x3FBC] =	sst s2  }
0x8f: {  	_ = 	snop  }
0x90: {  	s2 =	sld [smem:$0x3FD0];
	(tm) =	ssettm $0x1  }
0x91: {  	s18 =	sld [smem:$0x3FFB];
	_ =	sdelay $0x3  }
0x92: {  	_ =	strace s18  }
0x93: {  	s3 =	sld [smem:$0x3FFC];
	_ =	sdelay $0x3  }
0x94: {  	_ =	strace s3  }
0x95: {  	s3 =	sld [smem:$0x3FFD];
	_ =	sdelay $0x3  }
0x96: {  	_ =	strace s3  }
0x97: {  	_ =	strace $0x8FFFFFFF  }
0x98: {  	s19 =	sld [smem:$0x3FDB];
	_ =	sdelay $0x1  }
0x99: {  	s4 =	simm.s32 $_scs_section_size  }
0x9a: {  	s5 =	simm.s32 $_size__tile_overlayer_lowered;
	s6 =	simm.s32 $_tile_overlayer_lowered  }
0x9b: {  	s22 =	simm.s32 $0x1BFF;
	s21 =	sshll.u32 s6, $0x1;
	s3 =	sadd.s32 s4, s19  }
0x9c: {  	s7 =	simm.s32 $0x0;
	s20 =	sshll.u32 s5, $0x1;
	s5 =	sadd.s32 s21, s3  }
0x9d: {  	[timem:s7], [sflag:s22] =	dma.local [hbm:s5], s20  }
0x9e: {  	_ =	swait.ge [sflag:s22], s20  }
0x9f: {  	s4 =	ssub.s32 $0x0, s20;
	[sflag:s22] =	ssyncset.done $0x0  }
0xa0: {  	[sflag:s22] =	ssyncadd.s32 s4;
	_ =	sdelay $0x1  }
0xa1: {  	s23 =	simm.s32 $0x1B8B  }
0xa2: {  	_ =	swait.ge [sflag:s23], $0x1  }
0xa3: {  	[sflag:s23] =	ssyncset.done $0x0  }
0xa4: {  	s25 =	simm.s32 $0x1B8E;
	s24 =	sld [smem:$0x3FFE];
	[sflag:s23] =	ssyncadd.s32 $0xFFFFFFFF  }
0xa5: {  	s26 =	simm.s32 $execute0_lowered;
	[smem:$0x3FD2] =	sst s25  }
0xa6: {  	s5 =	sshll.u32 s26, $0x1;
	_ =	strace $0x8000004C;
	[dreg:$0x1] =	wrdreg $0xFFFFFFFF  }
0xa7: {  	s28 =	simm.s32 $_size_execute0_lowered;
	s3 =	sadd.s32 s3, s5;
	[dreg:$0x0] =	wrdreg $0x0  }
0xa8: {  	s5 =	sshll.u32 s28, $0x1;
	[dreg:$0x2] =	wrdreg s3  }
0xa9: {  	[dreg:$0x3] =	wrdreg s5  }
0xaa: {  	[dreg:$0x4] =	wrdreg $0xC0  }
0xab: {  	_ =	task [dreg:s7], $0x5FFFF  }
0xac: {  	[dreg:$0x1] =	wrdreg $0xFFFFFFFF  }
0xad: {  	[dreg:$0x0] =	wrdreg $0x60  }
0xae: {  	[dreg:$0x2] =	wrdreg s24  }
0xaf: {  	[dreg:$0x3] =	wrdreg s2  }
0xb0: {  	[dreg:$0x4] =	wrdreg $0x91000  }
0xb1: {  	[dreg:$0x5] =	wrdreg $0x9  }
0xb2: {  	_ =	task.clear_ibuf [dreg:s7], $0x6FFFF;
	_ =	strace $0x9000004C  }
0xb3: {  	s29 =	simm.s32 $0x9;
	_ =	strace $0x8000004E  }
0xb4: {  	_ =	swait.ge [sflag:s29], $0x1  }
0xb5: {  	[sflag:s29] =	ssyncadd.s32 $0xFFFFFFFF  }
0xb6: {  	_ =	strace $0x9000004E  }
0xb7: {  	_ =	sfence  }
0xb8: {  	s30 =	sld [smem:$0x0];
	_ =	sdelay $0x2  }
0xb9: {  	s31 =	sshll.u32 s1, $0xD;
	s1 =	sshrl.u32 s1, $0x2  }
0xba: {  	s3 =	sand.u32 $0x4000, s31;
	s1 =	sadd.s32 s1, s30  }
0xbb: {  	s0 =	sor.u32 s3, s0;
	s1 =	sshll.u32 s1, $0x11  }
0xbc: {  	s0 =	sor.u32 s1, s0  }
0xbd: {  	s0 =	sadd.s32 $0x8F2B, s0  }
0xbe: {  	[sflag:s0] =	ssyncadd.remote.s32 $0x1  }
0xbf: {  	_ =	sfence.sel $0xFFFF  }
0xc0: {  	[dreg:$0x0] =	wrdreg $0xFFFFFFFF;
	(pc) =	sbr.abs _section_cstart, $3  }
0xc1: {  	[dreg:$0x1] =	wrdreg $0xFFFFFFFF  }
0xc2: {  	_ =	task.clear_ibuf [dreg:s7], $0x2FFFF;
	_ =	strace $0x9FFFFFFF  }
0xc3: {  	(tm) =	ssettm $0x7FFFFFFF  }
tec
execute0_lowered:
.L_overlay_start_1:
0x0: {  	(tag) =	ssettag $0x1  }
0x1: {  	s8 =	rddreg [dreg:$0x0]  }
0x2: {  	s1 =	rddreg [dreg:$0x1]  }
0x3: {  	s2 =	rddreg [dreg:$0x2]  }
0x4: {  	s0 =	rddreg [dreg:$0x3];
	s4 =	simm.s32 $0x0;
	s3 =	srdreg.scid  }
0x5: {  	s17 =	simm.s32 $0x4100;
	s18 =	simm.s32 $0x80;
	s19 =	simm.s32 $0x6900  }
0x6: {  	s20 =	simm.s32 $0x1;
	s21 =	simm.s32 $0x2;
	s22 =	simm.s32 $0x3F00  }
0x7: {  	s23 =	simm.s32 $0x0;
	[smem:$0x7FF] =	sst s4;
	s9 =	sand.u32 $0x1, s3  }
0x8: {  	s3 =	stileid.u32;
	s5 =	sadd.s32 $0x23E00, s8;
	s10 =	smul.u32 $0x140000, s9  }
0x9: {  	s6 =	sadd.s32 $0x13E00, s8;
	_ =	strace $0x8000004D;
	s11 =	smul.u32 $0x14000, s3  }
0xa: {  	s7 =	sshll.u32 s9, $0x12;
	s12 =	sshll.u32 s3, $0xE;
	s28 =	smul.u32 $0x50000, s3  }
0xb: {  	s29 =	ssub.s32 $0x2, s9;
	s31 =	sshll.u32 s3, $0x6;
	s7 =	sor.u32 s12, s7  }
0xc: {  	s9 =	sshrl.u32 s29, $0x1;
	s10 =	sadd.s32 s11, s10;
	s26 =	sshrl.u32 s7, $0x3  }
0xd: {  	s30 =	sshrl.u32 s28, $0x2;
	s15 =	ssub.s32 s29, s9;
	s10 =	sshrl.u32 s10, $0x3  }
0xe: {  	s13 =	sadd.s32 s26, s8;
	s16 =	sadd.s32 s30, s2;
	s12 =	smax.u32 s15, $0x1  }
0xf: {  	s15 =	simm.s32 $0x3;
	s14 =	sadd.s32 s10, s8;
	s8 =	sor.u32 $0x1C03, s31  }
0x10: {  	s9 =	sadd.s32 $0x3A00, s13;
	s10 =	sadd.s32 s26, s6;
	s11 =	sadd.s32 $0x4B000, s14  }
0x11: {  	s13 =	sadd.s32 $0x10, s10;
	s14 =	sshrl.u32 s16, $0x3;
	s16 =	simm.s32 $0x50  }
.LBB2_1:
0x12: {  	[spmem:s14], [sflag:s8] =	dma.local [hbm:s1], $0x2800  }
0x13: {  	_ =	swait.ge [sflag:s15], $0x2800  }
0x14: {  	[sflag:s15] =	ssyncset.done $0x0  }
0x15: {  	s24 =	simm.s32 $0x100;
	[sflag:s15] =	ssyncadd.s32 $0xFFFFD800  }
0x16: {  	[tilespmem:s24], [sflag:$0x3] =	stream.linear.gather [hbm4b:s9+s4], $0x3E80, $0x38;
	[tilespmem:$0x1D100] =	vst v63  }
0x17: {  	_ =	swait.ge [sflag:s15], $0x3E80  }
0x18: {  	[sflag:s15] =	ssyncset.done $0x0  }
0x19: {  	[sflag:s15] =	ssyncadd.s32 $0xFFFFC180  }
0x1a: {  	[bflag:$0x0] =	sbarrier.arrive $0xFFFF  }
0x1b: {  	[tilespmem:s4], [sflag:$0x3] =	stream.linear.gather [hbm4b:s10+s4], $0x80, $0x38;
	[tilespmem:$0x1D100] =	vst v63  }
0x1c: {  	_ =	swait.ge [sflag:s15], $0x80  }
0x1d: {  	[sflag:s15] =	ssyncset.done $0x0  }
0x1e: {  	[sflag:s15] =	ssyncadd.s32 $0xFFFFFF80  }
0x1f: {  	[tilespmem:s17], [sflag:$0x1] =	stream.indirect.gather [hbm4b:s5+s16], $0x80, s4, s16, $0xb8;
	[tilespmem:$0x1D100] =	vst v63  }
0x20: {  	_ = 	snop  }
0x21: {  	[tilespmem:s18], [sflag:$0x3] =	stream.linear.gather [hbm4b:s13+s4], $0x80, $0x38;
	[tilespmem:$0x1D100] =	vst v63  }
0x22: {  	_ =	swait.ge [sflag:s15], $0x80  }
0x23: {  	s25 =	sand.u32 $0x7C00, s24;
	[sflag:s15] =	ssyncset.done $0x0  }
0x24: {  	s25 =	sadd.s32 s7, s25;
	s24 =	sand.u32 $0x300, s24;
	[sflag:s15] =	ssyncadd.s32 $0xFFFFFF80  }
0x25: {  	[tilespmem:s19], [sflag:$0x2] =	stream.indirect.gather [hbm4b:s5+s16], $0x80, s18, s16, $0xb8;
	[tilespmem:$0x1D100] =	vst v63  }
0x26: {  	s24 =	sor.u32 s24, s25;
	_ =	swait.ge [sflag:s20], $0x2800  }
0x27: {  	s24 =	sshrl.u32 s24, $0x3;
	[sflag:s20] =	ssyncset.done $0x0  }
0x28: {  	s24 =	sadd.s32 s6, s24;
	[sflag:s20] =	ssyncadd.s32 $0xFFFFD800  }
0x29: {  	[tilespmem:s4], [sflag:$0x3] =	stream.linear.gather [hbm4b:s24+s4], $0x80, $0x38;
	[tilespmem:$0x1D100] =	vst v63  }
0x2a: {  	_ =	swait.ge [sflag:s15], $0x80  }
0x2b: {  	[sflag:s15] =	ssyncset.done $0x0  }
0x2c: {  	[sflag:s15] =	ssyncadd.s32 $0xFFFFFF80  }
0x2d: {  	[tilespmem:s17], [sflag:$0x1] =	stream.indirect.gather [hbm4b:s5+s16], $0x80, s4, s16, $0xb8;
	[tilespmem:$0x1D100] =	vst v63  }
0x2e: {  	s25 =	smov.u32 s13;
	s24 =	simm.s32 $0x200;
	_ =	swait.ge [sflag:s21], $0x2800  }
.LBB2_2:
0x2f: {  	p0 =	sne.s32 s24, $0x3E00;
	[sflag:s21] =	ssyncset.done $0x0;
	s25 =	sadd.s32 $0x20, s25  }
0x30: {  	s26 =	smov.u32 s24;
	s24 =	sadd.s32 $0x100, s24;
	[sflag:s21] =	ssyncadd.s32 $0xFFFFD800  }
0x31: {  	[tilespmem:s18], [sflag:$0x3] =	stream.linear.gather [hbm4b:s25+s4], $0x80, $0x38;
	[tilespmem:$0x1D100] =	vst v63  }
0x32: {  	_ =	swait.ge [sflag:s15], $0x80  }
0x33: {  	s28 =	sand.u32 $0x7C00, s26;
	[sflag:s15] =	ssyncset.done $0x0  }
0x34: {  	s26 =	sand.u32 $0x300, s26;
	s28 =	sadd.s32 s7, s28;
	[sflag:s15] =	ssyncadd.s32 $0xFFFFFF80  }
0x35: {  	[tilespmem:s19], [sflag:$0x2] =	stream.indirect.gather [hbm4b:s5+s16], $0x80, s18, s16, $0xb8;
	[tilespmem:$0x1D100] =	vst v63  }
0x36: {  	s26 =	sor.u32 s26, s28;
	_ =	swait.ge [sflag:s20], $0x2800  }
0x37: {  	s26 =	sshrl.u32 s26, $0x3;
	[sflag:s20] =	ssyncset.done $0x0  }
0x38: {  	s26 =	sadd.s32 s6, s26;
	[sflag:s20] =	ssyncadd.s32 $0xFFFFD800  }
0x39: {  	[tilespmem:s4], [sflag:$0x3] =	stream.linear.gather [hbm4b:s26+s4], $0x80, $0x38;
	[tilespmem:$0x1D100] =	vst v63  }
.Ltmp0:
0x3a: {  	_ =	swait.ge [sflag:s15], $0x80;
	(pc) =	sbr.rel @p0 .LBB2_2-.Ltmp0, $4  }
0x3b: {  	[sflag:s15] =	ssyncset.done $0x0  }
0x3c: {  	[sflag:s15] =	ssyncadd.s32 $0xFFFFFF80  }
0x3d: {  	[tilespmem:s17], [sflag:$0x1] =	stream.indirect.gather [hbm4b:s5+s16], $0x80, s4, s16, $0xb8;
	[tilespmem:$0x1D100] =	vst v63  }
0x3e: {  	_ =	swait.ge [sflag:s21], $0x2800  }
0x3f: {  	[sflag:s21] =	ssyncset.done $0x0  }
0x40: {  	[sflag:s21] =	ssyncadd.s32 $0xFFFFD800  }
0x41: {  	_ =	swait.ge [sflag:s20], $0x2800  }
0x42: {  	[sflag:s20] =	ssyncset.done $0x0  }
0x43: {  	[sflag:s20] =	ssyncadd.s32 $0xFFFFD800  }
0x44: {  	[spmem:s2] =	stream.indirect.scatter.add.f32 [tilespmem:s17], [sflag:$0x3], $0x80, s22, s16, $0xb8;
	[tilespmem:$0x1D100] =	vst v63  }
0x45: {  	_ =	swait.ge [sflag:s15], $0x2800  }
0x46: {  	s23 =	sadd.s32 $0x1, s23;
	[sflag:s15] =	ssyncset.done $0x0  }
0x47: {  	p0 =	sne.s32 s23, s12;
	[sflag:s15] =	ssyncadd.s32 $0xFFFFD800  }
.Ltmp1:
0x48: {  	[bflag:$0x0] =	sbarrier.arrive $0xFFFF;
	(pc) =	sbr.rel @p0 .LBB2_1-.Ltmp1, $4  }
0x49: {  	[hbm:s11], [sflag:s8] =	dma.local [spmem:s14], $0x2800  }
0x4a: {  	_ =	swait.ge [sflag:s15], $0x2800  }
0x4b: {  	[sflag:s15] =	ssyncset.done $0x0  }
0x4c: {  	[sflag:s15] =	ssyncadd.s32 $0xFFFFD800  }
0x4d: {  	_ =	sfence.sel $0x180000  }
0x4e: {  	[bflag:$0x0] =	sbarrier.arrive $0xFFFF  }
0x4f: {  	p0 =	sne.s32 s3, $0x0;
	_ =	strace $0x9000004D  }
0x50: {  	s0 =	sadd.s32 @!p0 $0x100000, s0;
	[bflag:$0x2] =	sbarrier.arrive $0xFFFF  }
0x51: {  	[sflag:s0] =	ssyncadd.tile.s32 @!p0 $0x1;
	_ =	shalt  }
.Lfunc_end2:
_tile_overlayer_lowered:
.L_overlay_start_2:
0x52: {  	(tag) =	ssettag $0x2  }
0x53: {  	s0 =	rddreg [dreg:$0x0];
	s2 =	stileid.u32  }
0x54: {  	s1 =	rddreg [dreg:$0x1];
	p0 =	sne.s32 s2, $0x0  }
0x55: {  	s3 =	rddreg [dreg:$0x2];
	[bflag:$0x3] =	sbarrier.arrive $0xFFFF;
	s2 =	simm.s32 @!p0 $0x1C03  }
0x56: {  	[timem:s3], [sflag:s2] =	dma.local @!p0 [hbm:s0], s1  }
0x57: {  	s0 =	simm.s32 @!p0 $0x3  }
0x58: {  	_ =	swait.ge @!p0 [sflag:s0], s1  }
0x59: {  	s1 =	ssub.s32 @!p0 $0x0, s1;
	[sflag:s0] =	ssyncset.done @!p0 $0x0  }
0x5a: {  	[sflag:s0] =	ssyncadd.s32 @!p0 s1  }
0x5b: {  	[bflag:$0x3] =	sbarrier.arrive $0xFFFF  }
0x5c: {  	_ =	shalt  }

// kernel: kernel.20.cloned.1.call-start
scs
__scs_entry_jumppad:
0x0: {  	(pc) =	sbr.rel $0x88, $3  }
0x1: {  	(tag) =	ssettag $0x0;
	lr =	simm.s32 $0x1  }
0x2: {  	[smem:$0x3F95] =	sst lr;
	_ =	strace $0xD0000000  }
0x3: {  	_ = 	snop  }
0x4: {  	_ = 	snop  }
0x5: {  	_ = 	snop  }
0x6: {  	_ = 	snop  }
0x7: {  	_ = 	snop  }
__scs_overlays_trampoline_lowered:
0x8: {  	[smem:$0x3FA4] =	sst s0  }
0x9: {  	[smem:$0x3FA5] =	sst s1  }
0xa: {  	[smem:$0x3FA6] =	sst s2  }
0xb: {  	[smem:$0x3FA7] =	sst s3  }
0xc: {  	[smem:$0x3FA8] =	sst s4  }
0xd: {  	[smem:$0x3FA9] =	sst s5  }
0xe: {  	[smem:$0x3FAA] =	sst s6  }
0xf: {  	[smem:$0x3FAB] =	sst s7  }
0x10: {  	[smem:$0x3FAC] =	sst s8  }
0x11: {  	[smem:$0x3FAD] =	sst s9;
	s0 =	simm.s32 @!p0 $0x0  }
0x12: {  	s1 =	sld [smem:$0x3F93];
	s0 =	simm.s32 @p0 $0x1  }
0x13: {  	[smem:$0x3FAE] =	sst s0;
	s0 =	simm.s32 @!p1 $0x0  }
0x14: {  	s2 =	sld [smem:$0x3F92];
	s0 =	simm.s32 @p1 $0x1  }
0x15: {  	[smem:$0x3FAF] =	sst s0;
	s0 =	simm.s32 @!p2 $0x0  }
0x16: {  	s3 =	sld [smem:$0x3FDB];
	s0 =	simm.s32 @p2 $0x1  }
0x17: {  	s4 =	simm.s32 $0x1BF5;
	[smem:$0x3FB1] =	sst s0  }
0x18: {  	s0 =	sld [smem:$0x3F94];
	_ =	swait.ge [sflag:s4], $0x0  }
0x19: {  	s7 =	sld [smem:$0x3F95]  }
0x1a: {  	s8 =	sadd.s32 $0xFFFFE003, lr  }
0x1b: {  	s9 =	sadd.s32 $0xFFFFFEF7, lr;
	s5 =	simm.s32 $0xFFFFFFFF;
	p2 =	slt.u32 s8, $0xFFFFF086  }
0x1c: {  	p1 =	slt.u32 s9, $0xF7A;
	s5 =	simm.s32 @!p2 $0x0  }
0x1d: {  	s5 =	simm.s32 @p1 $0x1;
	p0 =	seq.s32 s7, s2  }
0x1e: {  	s7 =	smul.u32 @!p0 $0xF7A, s2;
	p2 =	seq.s32 @!p0 s5, $0x0  }
0x1f: {  	s9 =	smul.u32 $0xF7A, s1;
	s8 =	simm.s32 @!p0 $0x1BF5;
	p2 =	por !p2, p0  }
0x20: {  	[sflag:s8] =	ssyncset.s32 @!p0 $0xFFFFF086;
	s6 =	sadd.s32 @!p0 s3, s7;
	s7 =	simm.s32 @!p0 $0x108  }
0x21: {  	s3 =	sadd.s32 s3, s9;
	s6 =	sadd.s32 @!p0 $0x88, s6;
	s7 =	simm.s32 @p2 $0x1082  }
0x22: {  	[simem:s7], [sflag:s8] =	dma.local @!p0 [hbm:s6], $0xF7A  }
0x23: {  	s9 =	sor.u32 $0xD0000000, s2;
	s6 =	simm.s32 $0x108;
	_ =	swait.ge @!p0 [sflag:s8], $0x0  }
0x24: {  	s3 =	sadd.s32 $0x88, s3;
	s6 =	simm.s32 @!p1 $0x1082;
	[sflag:s4] =	ssyncset.s32 $0xFFFFF086  }
0x25: {  	[simem:s6], [sflag:s4] =	dma.local [hbm:s3], $0xF7A  }
0x26: {  	[smem:$0x3F95] =	sst s1;
	(tag) =	ssettag s2;
	_ =	strace s9  }
0x27: {  	s1 =	sld [smem:$0x3FA5]  }
0x28: {  	s2 =	sld [smem:$0x3FA6]  }
0x29: {  	s4 =	sld [smem:$0x3FA8]  }
0x2a: {  	p0 =	seq.s32 s5, $0x0;
	s5 =	sld [smem:$0x3FA9]  }
0x2b: {  	s6 =	sld [smem:$0x3FAA]  }
0x2c: {  	s7 =	sld [smem:$0x3FAB]  }
0x2d: {  	s3 =	simm.s32 $0x108;
	s8 =	sld [smem:$0x3FAC]  }
0x2e: {  	s3 =	simm.s32 @!p0 $0x1082;
	s9 =	sld [smem:$0x3FAD]  }
0x2f: {  	lr =	sadd.s32 s0, s3;
	s0 =	sld [smem:$0x3FA4]  }
0x30: {  	s3 =	sld [smem:$0x3FA7]  }
0x31: {  	[smem:$0x3FB0] =	sst s10  }
0x32: {  	s10 =	sld [smem:$0x3FAE];
	_ =	sdelay $0x3  }
0x33: {  	p0 =	seq.s32 s10, $0x1;
	s10 =	sld [smem:$0x3FB0];
	_ =	sdelay $0x3  }
0x34: {  	[smem:$0x3FB0] =	sst s10  }
0x35: {  	s10 =	sld [smem:$0x3FAF];
	_ =	sdelay $0x3  }
0x36: {  	p1 =	seq.s32 s10, $0x1;
	s10 =	sld [smem:$0x3FB0];
	_ =	sdelay $0x3  }
0x37: {  	[smem:$0x3FB0] =	sst s10  }
0x38: {  	s10 =	sld [smem:$0x3FB1]  }
0x39: {  	_ = 	snop;
	(pc) =	sbr.ind lr, $3  }
0x3a: {  	_ = 	snop  }
0x3b: {  	_ = 	snop  }
0x3c: {  	p2 =	seq.s32 s10, $0x1;
	s10 =	sld [smem:$0x3FB0]  }
0x3d: {  	_ =	shalt  }
0x3e: {  	_ =	shalt  }
0x3f: {  	_ =	shalt  }
0x40: {  	_ =	shalt  }
0x41: {  	_ =	shalt  }
0x42: {  	_ =	shalt  }
0x43: {  	_ =	shalt  }
0x44: {  	_ =	shalt  }
0x45: {  	_ =	shalt  }
0x46: {  	_ =	shalt  }
0x47: {  	_ =	shalt  }
0x48: {  	_ =	shalt  }
0x49: {  	_ =	shalt  }
0x4a: {  	_ =	shalt  }
0x4b: {  	_ =	shalt  }
0x4c: {  	_ =	shalt  }
0x4d: {  	_ =	shalt  }
0x4e: {  	_ =	shalt  }
0x4f: {  	_ =	shalt  }
0x50: {  	_ =	shalt  }
0x51: {  	_ =	shalt  }
0x52: {  	_ =	shalt  }
0x53: {  	_ =	shalt  }
0x54: {  	_ =	shalt  }
0x55: {  	_ =	shalt  }
0x56: {  	_ =	shalt  }
0x57: {  	_ =	shalt  }
0x58: {  	_ =	shalt  }
0x59: {  	_ =	shalt  }
0x5a: {  	_ =	shalt  }
0x5b: {  	_ =	shalt  }
0x5c: {  	_ =	shalt  }
0x5d: {  	_ =	shalt  }
0x5e: {  	_ =	shalt  }
0x5f: {  	_ =	shalt  }
0x60: {  	_ =	shalt  }
0x61: {  	_ =	shalt  }
0x62: {  	_ =	shalt  }
0x63: {  	_ =	shalt  }
0x64: {  	_ =	shalt  }
0x65: {  	_ =	shalt  }
0x66: {  	_ =	shalt  }
0x67: {  	_ =	shalt  }
0x68: {  	_ =	shalt  }
0x69: {  	_ =	shalt  }
0x6a: {  	_ =	shalt  }
0x6b: {  	_ =	shalt  }
0x6c: {  	_ =	shalt  }
0x6d: {  	_ =	shalt  }
0x6e: {  	_ =	shalt  }
0x6f: {  	_ =	shalt  }
0x70: {  	_ =	shalt  }
0x71: {  	_ =	shalt  }
0x72: {  	_ =	shalt  }
0x73: {  	_ =	shalt  }
0x74: {  	_ =	shalt  }
0x75: {  	_ =	shalt  }
0x76: {  	_ =	shalt  }
0x77: {  	_ =	shalt  }
0x78: {  	_ =	shalt  }
0x79: {  	_ =	shalt  }
0x7a: {  	_ =	shalt  }
0x7b: {  	_ =	shalt  }
0x7c: {  	_ =	shalt  }
0x7d: {  	_ =	shalt  }
0x7e: {  	_ =	shalt  }
0x7f: {  	_ =	shalt  }
0x80: {  	_ =	shalt  }
0x81: {  	_ =	shalt  }
0x82: {  	_ =	shalt  }
0x83: {  	_ =	shalt  }
0x84: {  	_ =	shalt  }
0x85: {  	_ =	shalt  }
0x86: {  	_ =	shalt  }
0x87: {  	_ =	shalt  }
.Lfunc_end0:
.L_simem_size_0:
called_computation.3_lowered:
.L_overlay_start_0:
0x88: {  	s2 =	sld [smem:$0x3FD9]  }
0x89: {  	s3 =	sld [smem:$0x3FFE];
	_ =	sdelay $0x1  }
0x8a: {  	s1 =	srdreg.scid  }
0x8b: {  	s0 =	sand.u32 $0x1, s1  }
0x8c: {  	s17 =	sshll.u32 s0, $0xA;
	s2 =	sadd.s32 s3, s2  }
0x8d: {  	s2 =	sadd.s32 s2, s17  }
0x8e: {  	[smem:$0x3FBC] =	sst s2  }
0x8f: {  	_ = 	snop  }
0x90: {  	s2 =	sld [smem:$0x3FD0];
	(tm) =	ssettm $0x1  }
0x91: {  	s18 =	sld [smem:$0x3FFB];
	_ =	sdelay $0x3  }
0x92: {  	_ =	strace s18  }
0x93: {  	s3 =	sld [smem:$0x3FFC];
	_ =	sdelay $0x3  }
0x94: {  	_ =	strace s3  }
0x95: {  	s3 =	sld [smem:$0x3FFD];
	_ =	sdelay $0x3  }
0x96: {  	_ =	strace s3  }
0x97: {  	_ =	strace $0x8FFFFFFF  }
0x98: {  	s19 =	sld [smem:$0x3FDB];
	_ =	sdelay $0x1  }
0x99: {  	s4 =	simm.s32 $_scs_section_size  }
0x9a: {  	s5 =	simm.s32 $_size__tile_overlayer_lowered;
	s6 =	simm.s32 $_tile_overlayer_lowered  }
0x9b: {  	s22 =	simm.s32 $0x1BFF;
	s21 =	sshll.u32 s6, $0x1;
	s3 =	sadd.s32 s4, s19  }
0x9c: {  	s7 =	simm.s32 $0x0;
	s20 =	sshll.u32 s5, $0x1;
	s5 =	sadd.s32 s21, s3  }
0x9d: {  	[timem:s7], [sflag:s22] =	dma.local [hbm:s5], s20  }
0x9e: {  	_ =	swait.ge [sflag:s22], s20  }
0x9f: {  	s4 =	ssub.s32 $0x0, s20;
	[sflag:s22] =	ssyncset.done $0x0  }
0xa0: {  	[sflag:s22] =	ssyncadd.s32 s4;
	_ =	sdelay $0x1  }
0xa1: {  	s23 =	simm.s32 $0x1B8B  }
0xa2: {  	_ =	swait.ge [sflag:s23], $0x1  }
0xa3: {  	[sflag:s23] =	ssyncset.done $0x0  }
0xa4: {  	s25 =	simm.s32 $0x1B8E;
	s24 =	sld [smem:$0x3FFE];
	[sflag:s23] =	ssyncadd.s32 $0xFFFFFFFF  }
0xa5: {  	s26 =	simm.s32 $execute0_lowered;
	[smem:$0x3FD2] =	sst s25  }
0xa6: {  	s5 =	sshll.u32 s26, $0x1;
	_ =	strace $0x8000004F;
	[dreg:$0x1] =	wrdreg $0xFFFFFFFF  }
0xa7: {  	s28 =	simm.s32 $_size_execute0_lowered;
	s3 =	sadd.s32 s3, s5;
	[dreg:$0x0] =	wrdreg $0x0  }
0xa8: {  	s5 =	sshll.u32 s28, $0x1;
	[dreg:$0x2] =	wrdreg s3  }
0xa9: {  	[dreg:$0x3] =	wrdreg s5  }
0xaa: {  	[dreg:$0x4] =	wrdreg $0xC0  }
0xab: {  	_ =	task [dreg:s7], $0x5FFFF  }
0xac: {  	[dreg:$0x1] =	wrdreg $0xFFFFFFFF  }
0xad: {  	[dreg:$0x0] =	wrdreg $0x60  }
0xae: {  	[dreg:$0x2] =	wrdreg s24  }
0xaf: {  	[dreg:$0x3] =	wrdreg s2  }
0xb0: {  	[dreg:$0x4] =	wrdreg $0x91000  }
0xb1: {  	[dreg:$0x5] =	wrdreg $0x9  }
0xb2: {  	_ =	task.clear_ibuf [dreg:s7], $0x6FFFF;
	_ =	strace $0x9000004F  }
0xb3: {  	s29 =	simm.s32 $0x9;
	_ =	strace $0x80000051  }
0xb4: {  	_ =	swait.ge [sflag:s29], $0x1  }
0xb5: {  	[sflag:s29] =	ssyncadd.s32 $0xFFFFFFFF  }
0xb6: {  	_ =	strace $0x90000051  }
0xb7: {  	_ =	sfence  }
0xb8: {  	s30 =	sld [smem:$0x0];
	_ =	sdelay $0x2  }
0xb9: {  	s31 =	sshll.u32 s1, $0xD;
	s1 =	sshrl.u32 s1, $0x2  }
0xba: {  	s3 =	sand.u32 $0x4000, s31;
	s1 =	sadd.s32 s1, s30  }
0xbb: {  	s0 =	sor.u32 s3, s0;
	s1 =	sshll.u32 s1, $0x11  }
0xbc: {  	s0 =	sor.u32 s1, s0  }
0xbd: {  	s0 =	sadd.s32 $0x8F2B, s0  }
0xbe: {  	[sflag:s0] =	ssyncadd.remote.s32 $0x1  }
0xbf: {  	_ =	sfence.sel $0xFFFF  }
0xc0: {  	[dreg:$0x0] =	wrdreg $0xFFFFFFFF;
	(pc) =	sbr.abs _section_cstart, $3  }
0xc1: {  	[dreg:$0x1] =	wrdreg $0xFFFFFFFF  }
0xc2: {  	_ =	task.clear_ibuf [dreg:s7], $0x2FFFF;
	_ =	strace $0x9FFFFFFF  }
0xc3: {  	(tm) =	ssettm $0x7FFFFFFF  }
tec
execute0_lowered:
.L_overlay_start_1:
0x0: {  	(tag) =	ssettag $0x1  }
0x1: {  	s8 =	rddreg [dreg:$0x0]  }
0x2: {  	s1 =	rddreg [dreg:$0x1]  }
0x3: {  	s2 =	rddreg [dreg:$0x2]  }
0x4: {  	s0 =	rddreg [dreg:$0x3];
	s4 =	simm.s32 $0x0;
	s3 =	srdreg.scid  }
0x5: {  	s17 =	simm.s32 $0x4100;
	s18 =	simm.s32 $0x80;
	s19 =	simm.s32 $0x6900  }
0x6: {  	s20 =	simm.s32 $0x1;
	s21 =	simm.s32 $0x2;
	s22 =	simm.s32 $0x3F00  }
0x7: {  	s23 =	simm.s32 $0x0;
	[smem:$0x7FF] =	sst s4;
	s9 =	sand.u32 $0x1, s3  }
0x8: {  	s3 =	stileid.u32;
	s5 =	sadd.s32 $0x23E00, s8;
	s10 =	smul.u32 $0x140000, s9  }
0x9: {  	s6 =	sadd.s32 $0x13E00, s8;
	_ =	strace $0x80000050;
	s11 =	smul.u32 $0x14000, s3  }
0xa: {  	s7 =	sshll.u32 s9, $0x12;
	s12 =	sshll.u32 s3, $0xE;
	s28 =	smul.u32 $0x50000, s3  }
0xb: {  	s29 =	ssub.s32 $0x2, s9;
	s31 =	sshll.u32 s3, $0x6;
	s7 =	sor.u32 s12, s7  }
0xc: {  	s9 =	sshrl.u32 s29, $0x1;
	s10 =	sadd.s32 s11, s10;
	s26 =	sshrl.u32 s7, $0x3  }
0xd: {  	s30 =	sshrl.u32 s28, $0x2;
	s15 =	ssub.s32 s29, s9;
	s10 =	sshrl.u32 s10, $0x3  }
0xe: {  	s13 =	sadd.s32 s26, s8;
	s16 =	sadd.s32 s30, s2;
	s12 =	smax.u32 s15, $0x1  }
0xf: {  	s15 =	simm.s32 $0x3;
	s14 =	sadd.s32 s10, s8;
	s8 =	sor.u32 $0x1C03, s31  }
0x10: {  	s9 =	sadd.s32 $0x3A00, s13;
	s10 =	sadd.s32 s26, s6;
	s11 =	sadd.s32 $0x4B000, s14  }
0x11: {  	s13 =	sadd.s32 $0x10, s10;
	s14 =	sshrl.u32 s16, $0x3;
	s16 =	simm.s32 $0x50  }
.LBB2_1:
0x12: {  	[spmem:s14], [sflag:s8] =	dma.local [hbm:s1], $0x2800  }
0x13: {  	_ =	swait.ge [sflag:s15], $0x2800  }
0x14: {  	[sflag:s15] =	ssyncset.done $0x0  }
0x15: {  	s24 =	simm.s32 $0x100;
	[sflag:s15] =	ssyncadd.s32 $0xFFFFD800  }
0x16: {  	[tilespmem:s24], [sflag:$0x3] =	stream.linear.gather [hbm4b:s9+s4], $0x3E80, $0x38;
	[tilespmem:$0x1D100] =	vst v63  }
0x17: {  	_ =	swait.ge [sflag:s15], $0x3E80  }
0x18: {  	[sflag:s15] =	ssyncset.done $0x0  }
0x19: {  	[sflag:s15] =	ssyncadd.s32 $0xFFFFC180  }
0x1a: {  	[bflag:$0x0] =	sbarrier.arrive $0xFFFF  }
0x1b: {  	[tilespmem:s4], [sflag:$0x3] =	stream.linear.gather [hbm4b:s10+s4], $0x80, $0x38;
	[tilespmem:$0x1D100] =	vst v63  }
0x1c: {  	_ =	swait.ge [sflag:s15], $0x80  }
0x1d: {  	[sflag:s15] =	ssyncset.done $0x0  }
0x1e: {  	[sflag:s15] =	ssyncadd.s32 $0xFFFFFF80  }
0x1f: {  	[tilespmem:s17], [sflag:$0x1] =	stream.indirect.gather [hbm4b:s5+s16], $0x80, s4, s16, $0xb8;
	[tilespmem:$0x1D100] =	vst v63  }
0x20: {  	_ = 	snop  }
0x21: {  	[tilespmem:s18], [sflag:$0x3] =	stream.linear.gather [hbm4b:s13+s4], $0x80, $0x38;
	[tilespmem:$0x1D100] =	vst v63  }
0x22: {  	_ =	swait.ge [sflag:s15], $0x80  }
0x23: {  	s25 =	sand.u32 $0x7C00, s24;
	[sflag:s15] =	ssyncset.done $0x0  }
0x24: {  	s25 =	sadd.s32 s7, s25;
	s24 =	sand.u32 $0x300, s24;
	[sflag:s15] =	ssyncadd.s32 $0xFFFFFF80  }
0x25: {  	[tilespmem:s19], [sflag:$0x2] =	stream.indirect.gather [hbm4b:s5+s16], $0x80, s18, s16, $0xb8;
	[tilespmem:$0x1D100] =	vst v63  }
0x26: {  	s24 =	sor.u32 s24, s25;
	_ =	swait.ge [sflag:s20], $0x2800  }
0x27: {  	s24 =	sshrl.u32 s24, $0x3;
	[sflag:s20] =	ssyncset.done $0x0  }
0x28: {  	s24 =	sadd.s32 s6, s24;
	[sflag:s20] =	ssyncadd.s32 $0xFFFFD800  }
0x29: {  	[tilespmem:s4], [sflag:$0x3] =	stream.linear.gather [hbm4b:s24+s4], $0x80, $0x38;
	[tilespmem:$0x1D100] =	vst v63  }
0x2a: {  	_ =	swait.ge [sflag:s15], $0x80  }
0x2b: {  	[sflag:s15] =	ssyncset.done $0x0  }
0x2c: {  	[sflag:s15] =	ssyncadd.s32 $0xFFFFFF80  }
0x2d: {  	[tilespmem:s17], [sflag:$0x1] =	stream.indirect.gather [hbm4b:s5+s16], $0x80, s4, s16, $0xb8;
	[tilespmem:$0x1D100] =	vst v63  }
0x2e: {  	s25 =	smov.u32 s13;
	s24 =	simm.s32 $0x200;
	_ =	swait.ge [sflag:s21], $0x2800  }
.LBB2_2:
0x2f: {  	p0 =	sne.s32 s24, $0x3E00;
	[sflag:s21] =	ssyncset.done $0x0;
	s25 =	sadd.s32 $0x20, s25  }
0x30: {  	s26 =	smov.u32 s24;
	s24 =	sadd.s32 $0x100, s24;
	[sflag:s21] =	ssyncadd.s32 $0xFFFFD800  }
0x31: {  	[tilespmem:s18], [sflag:$0x3] =	stream.linear.gather [hbm4b:s25+s4], $0x80, $0x38;
	[tilespmem:$0x1D100] =	vst v63  }
0x32: {  	_ =	swait.ge [sflag:s15], $0x80  }
0x33: {  	s28 =	sand.u32 $0x7C00, s26;
	[sflag:s15] =	ssyncset.done $0x0  }
0x34: {  	s26 =	sand.u32 $0x300, s26;
	s28 =	sadd.s32 s7, s28;
	[sflag:s15] =	ssyncadd.s32 $0xFFFFFF80  }
0x35: {  	[tilespmem:s19], [sflag:$0x2] =	stream.indirect.gather [hbm4b:s5+s16], $0x80, s18, s16, $0xb8;
	[tilespmem:$0x1D100] =	vst v63  }
0x36: {  	s26 =	sor.u32 s26, s28;
	_ =	swait.ge [sflag:s20], $0x2800  }
0x37: {  	s26 =	sshrl.u32 s26, $0x3;
	[sflag:s20] =	ssyncset.done $0x0  }
0x38: {  	s26 =	sadd.s32 s6, s26;
	[sflag:s20] =	ssyncadd.s32 $0xFFFFD800  }
0x39: {  	[tilespmem:s4], [sflag:$0x3] =	stream.linear.gather [hbm4b:s26+s4], $0x80, $0x38;
	[tilespmem:$0x1D100] =	vst v63  }
.Ltmp0:
0x3a: {  	_ =	swait.ge [sflag:s15], $0x80;
	(pc) =	sbr.rel @p0 .LBB2_2-.Ltmp0, $4  }
0x3b: {  	[sflag:s15] =	ssyncset.done $0x0  }
0x3c: {  	[sflag:s15] =	ssyncadd.s32 $0xFFFFFF80  }
0x3d: {  	[tilespmem:s17], [sflag:$0x1] =	stream.indirect.gather [hbm4b:s5+s16], $0x80, s4, s16, $0xb8;
	[tilespmem:$0x1D100] =	vst v63  }
0x3e: {  	_ =	swait.ge [sflag:s21], $0x2800  }
0x3f: {  	[sflag:s21] =	ssyncset.done $0x0  }
0x40: {  	[sflag:s21] =	ssyncadd.s32 $0xFFFFD800  }
0x41: {  	_ =	swait.ge [sflag:s20], $0x2800  }
0x42: {  	[sflag:s20] =	ssyncset.done $0x0  }
0x43: {  	[sflag:s20] =	ssyncadd.s32 $0xFFFFD800  }
0x44: {  	[spmem:s2] =	stream.indirect.scatter.add.f32 [tilespmem:s17], [sflag:$0x3], $0x80, s22, s16, $0xb8;
	[tilespmem:$0x1D100] =	vst v63  }
0x45: {  	_ =	swait.ge [sflag:s15], $0x2800  }
0x46: {  	s23 =	sadd.s32 $0x1, s23;
	[sflag:s15] =	ssyncset.done $0x0  }
0x47: {  	p0 =	sne.s32 s23, s12;
	[sflag:s15] =	ssyncadd.s32 $0xFFFFD800  }
.Ltmp1:
0x48: {  	[bflag:$0x0] =	sbarrier.arrive $0xFFFF;
	(pc) =	sbr.rel @p0 .LBB2_1-.Ltmp1, $4  }
0x49: {  	[hbm:s11], [sflag:s8] =	dma.local [spmem:s14], $0x2800  }
0x4a: {  	_ =	swait.ge [sflag:s15], $0x2800  }
0x4b: {  	[sflag:s15] =	ssyncset.done $0x0  }
0x4c: {  	[sflag:s15] =	ssyncadd.s32 $0xFFFFD800  }
0x4d: {  	_ =	sfence.sel $0x180000  }
0x4e: {  	[bflag:$0x0] =	sbarrier.arrive $0xFFFF  }
0x4f: {  	p0 =	sne.s32 s3, $0x0;
	_ =	strace $0x90000050  }
0x50: {  	s0 =	sadd.s32 @!p0 $0x100000, s0;
	[bflag:$0x2] =	sbarrier.arrive $0xFFFF  }
0x51: {  	[sflag:s0] =	ssyncadd.tile.s32 @!p0 $0x1;
	_ =	shalt  }
.Lfunc_end2:
_tile_overlayer_lowered:
.L_overlay_start_2:
0x52: {  	(tag) =	ssettag $0x2  }
0x53: {  	s0 =	rddreg [dreg:$0x0];
	s2 =	stileid.u32  }
0x54: {  	s1 =	rddreg [dreg:$0x1];
	p0 =	sne.s32 s2, $0x0  }
0x55: {  	s3 =	rddreg [dreg:$0x2];
	[bflag:$0x3] =	sbarrier.arrive $0xFFFF;
	s2 =	simm.s32 @!p0 $0x1C03  }
0x56: {  	[timem:s3], [sflag:s2] =	dma.local @!p0 [hbm:s0], s1  }
0x57: {  	s0 =	simm.s32 @!p0 $0x3  }
0x58: {  	_ =	swait.ge @!p0 [sflag:s0], s1  }
0x59: {  	s1 =	ssub.s32 @!p0 $0x0, s1;
	[sflag:s0] =	ssyncset.done @!p0 $0x0  }
0x5a: {  	[sflag:s0] =	ssyncadd.s32 @!p0 s1  }
0x5b: {  	[bflag:$0x3] =	sbarrier.arrive $0xFFFF  }
0x5c: {  	_ =	shalt  }

</sc_bundles>
